<compile_context>
chip_gen: v7x
topology: tpu7x:2x2x1
jax: 0.10.2.dev20260603
libtpu: 0.0.44.dev20260713+nightly
codegen_flags: <defaults>
</compile_context>

<pallas_src>
import functools

import jax
import jax.numpy as jnp
from jax import lax
from jax.experimental import pallas as pl
from jax.experimental.pallas import tpu as pltpu
from jax.experimental.pallas import tpu_sc as plsc

_N = 10000
_E = 320000
_NC = 2
_NS = 16
_CH = 80
_NP = 10240
_RPT = _NP // _NS


@functools.lru_cache(maxsize=None)
def _make_segsum():
    ntile = _NC * _NS
    ept = _E // ntile
    nch = ept // _CH
    half = nch // 2
    tail = nch - 2 * half
    mesh = plsc.VectorSubcoreMesh(core_axis_name="c", subcore_axis_name="s")

    @functools.partial(
        pl.kernel,
        out_type=jax.ShapeDtypeStruct((_NC, _NP, 128), jnp.float32),
        mesh=mesh,
        scratch_types=[
            pltpu.VMEM((ept,), jnp.int32),
            pltpu.VMEM((nch, _CH), jnp.int32),
            pltpu.VMEM((_CH, 128), jnp.float32),
            pltpu.VMEM((_CH, 128), jnp.float32),
            pltpu.VMEM_SHARED((_NP, 128), jnp.float32),
            pltpu.SemaphoreType.DMA,
            pltpu.SemaphoreType.DMA,
        ],
    )
    def segsum(xcat, srch, dsth, zeros, out, srcv, dstv, rows0, rows1, acc,
               sem0, sem1):
        c = lax.axis_index("c")
        s = lax.axis_index("s")
        w = c * _NS + s

        pltpu.sync_copy(zeros.at[pl.ds(s * _RPT, _RPT)],
                        acc.at[pl.ds(s * _RPT, _RPT)])

        pltpu.sync_copy(srch.at[pl.ds(w * ept, ept)], srcv)
        pltpu.sync_copy(dsth.at[w], dstv)

        plsc.subcore_barrier()

        def gstart(ch, buf, sem):
            pltpu.async_copy(xcat.at[srcv.at[pl.ds(ch * _CH, _CH)]], buf, sem)

        def gwait(buf, sem):
            pltpu.make_async_copy(xcat.at[srcv.at[pl.ds(0, _CH)]], buf,
                                  sem).wait()

        def scat(ch, buf):
            pltpu.sync_copy(buf, acc.at[dstv.at[ch]], add=True)

        gstart(0, rows0, sem0)

        def body(g, _):
            c0 = 2 * g
            gstart(c0 + 1, rows1, sem1)
            gwait(rows0, sem0)
            scat(c0, rows0)

            @pl.when(g < half - 1 + tail)
            def _():
                gstart(c0 + 2, rows0, sem0)

            gwait(rows1, sem1)
            scat(c0 + 1, rows1)
            return 0

        lax.fori_loop(0, half, body, 0)

        if tail:
            gwait(rows0, sem0)
            scat(nch - 1, rows0)

        plsc.subcore_barrier()
        pltpu.sync_copy(acc.at[pl.ds(s * _RPT, _RPT)],
                        out.at[c, pl.ds(s * _RPT, _RPT)])

    return segsum


_BR = 2000
_G = _N // _BR


def _stats_update(i, st_ref, t):
    @pl.when(i == 0)
    def _():
        st_ref[...] = jnp.zeros_like(st_ref)

    st_ref[...] += jnp.stack([jnp.sum(t, axis=0), jnp.sum(t * t, axis=0)])


def _bn_coefs(st_ref, g, b):
    m = st_ref[0:1, :] * (1.0 / _N)
    v = st_ref[1:2, :] * (1.0 / _N) - m * m
    r = lax.rsqrt(v + 1e-5)
    return r * g, b - m * r * g


def _tc_layer(x, aggs, scale, w0, b0, g0, be0, w1, b1, ga, ba, go, bo,
              emit_cat):
    n, d = x.shape
    do = w1.shape[1]
    dh = do // 2
    na = len(aggs)

    def body(scale_ref, x_ref, *rest):
        agg_refs = rest[:na]
        (w0_ref, b0_ref, g0_ref, be0_ref, w1_ref, b1_ref, ga_ref, ba_ref,
         go_ref, bo_ref) = rest[na:na + 10]
        outs = rest[na + 10:]
        x_out = outs[0]
        t_s = outs[-2]
        st_s = outs[-1]
        p = pl.program_id(0)
        i = pl.program_id(1)
        blk = pl.ds(i * _BR, _BR)

        def stats(k, t):
            @pl.when(i == 0)
            def _():
                st_s[k] = jnp.zeros((2, do), jnp.float32)

            st_s[k] += jnp.stack([jnp.sum(t, axis=0), jnp.sum(t * t, axis=0)])

        def coefs(k, g, b):
            st = st_s[k]
            m = st[0:1, :] * (1.0 / _N)
            v = st[1:2, :] * (1.0 / _N) - m * m
            r = lax.rsqrt(v + 1e-5)
            return r * g, b - m * r * g

        @pl.when(p == 0)
        def _():
            chunks = [a[0] + a[1] for a in agg_refs]
            agg = chunks[0] if na == 1 else jnp.concatenate(chunks, axis=1)
            rst = scale_ref[0, 0] * x_ref[...] + agg
            t = jnp.dot(rst, w0_ref[...],
                        preferred_element_type=jnp.float32) + b0_ref[...]
            t_s[blk] = t
            stats(0, t)

        @pl.when(p == 1)
        def _():
            a, cc = coefs(0, g0_ref[...], be0_ref[...])
            u = jnp.maximum(t_s[blk] * a + cc, 0.0)
            t2 = jnp.dot(u, w1_ref[...],
                         preferred_element_type=jnp.float32) + b1_ref[...]
            t_s[blk] = t2
            stats(1, t2)

        @pl.when(p == 2)
        def _():
            a, cc = coefs(1, ga_ref[...], ba_ref[...])
            v = jnp.maximum(t_s[blk] * a + cc, 0.0)
            t_s[blk] = v
            stats(2, v)

        @pl.when(p == 3)
        def _():
            a, cc = coefs(2, go_ref[...], bo_ref[...])
            xo = jnp.maximum(t_s[blk] * a + cc, 0.0)
            x_out[...] = xo
            if emit_cat:
                cat_ref = outs[1]
                cat_ref[0] = xo[:, :dh]
                cat_ref[1] = xo[:, dh:]

    out_specs = [
        pl.BlockSpec((_BR, do), lambda p, i: (jnp.where(p == 3, i, 0), 0)),
    ]
    out_shape = [jax.ShapeDtypeStruct((n, do), jnp.float32)]
    if emit_cat:
        out_specs.append(
            pl.BlockSpec((2, _BR, dh),
                         lambda p, i: (0, jnp.where(p == 3, i, 0), 0)))
        out_shape.append(jax.ShapeDtypeStruct((2, n, dh), jnp.float32))

    vec = lambda a: a.reshape(1, -1)
    return pl.pallas_call(
        body,
        grid=(4, _G),
        in_specs=[
            pl.BlockSpec(memory_space=pltpu.SMEM),
            pl.BlockSpec((_BR, d), lambda p, i: (jnp.where(p == 0, i, 0), 0)),
        ] + [
            pl.BlockSpec((2, _BR, 128),
                         lambda p, i: (0, jnp.where(p == 0, i, 0), 0))
            for _ in aggs
        ] + [
            pl.BlockSpec((d, do), lambda p, i: (0, 0)),
        ] + [
            pl.BlockSpec((1, do), lambda p, i: (0, 0)),
        ] * 3 + [
            pl.BlockSpec((do, do), lambda p, i: (0, 0)),
        ] + [
            pl.BlockSpec((1, do), lambda p, i: (0, 0)),
        ] * 5,
        out_specs=out_specs,
        out_shape=out_shape,
        scratch_shapes=[
            pltpu.VMEM((_N, do), jnp.float32),
            pltpu.VMEM((3, 2, do), jnp.float32),
        ],
    )(scale, x, *aggs, w0, vec(b0), vec(g0), vec(be0), w1, vec(b1), vec(ga),
      vec(ba), vec(go), vec(bo))


def kernel(h, edge_index,
           l0_W0, l0_b0, l0_g0, l0_be0, l0_W1, l0_b1, l0_ga, l0_ba, l0_go,
           l0_bo, l0_eps,
           l1_W0, l1_b0, l1_g0, l1_be0, l1_W1, l1_b1, l1_ga, l1_ba, l1_go,
           l1_bo, l1_eps):
    src2 = jnp.stack([edge_index[0], edge_index[0] + _N])
    dst = edge_index[1]

    params = [
        (l0_W0, l0_b0, l0_g0, l0_be0, l0_W1, l0_b1, l0_ga, l0_ba, l0_go,
         l0_bo, l0_eps),
        (l1_W0, l1_b0, l1_g0, l1_be0, l1_W1, l1_b1, l1_ga, l1_ba, l1_go,
         l1_bo, l1_eps),
    ]

    outs = [h]
    x = h
    tables = [(h, 0)]
    zeros = jnp.zeros((_NP, 128), jnp.float32)
    ntile = _NC * _NS
    dst3 = dst.reshape(ntile, _E // ntile // _CH, _CH)

    for i, (w0, b0, g0, be0, w1, b1, ga, ba, go, bo, eps) in enumerate(params):
        aggs = [_make_segsum()(t, src2[hh], dst3, zeros)
                for t, hh in tables]
        scale = (1.0 + eps).reshape(1, 1)
        if i == 0:
            x, cat = _tc_layer(x, aggs, scale, w0, b0, g0, be0, w1, b1, ga,
                               ba, go, bo, emit_cat=True)
            cat2 = cat.reshape(2 * _N, 128)
            tables = [(cat2, 0), (cat2, 1)]
        else:
            (x,) = _tc_layer(x, aggs, scale, w0, b0, g0, be0, w1, b1, ga,
                             ba, go, bo, emit_cat=False)
        outs.append(x)

    return tuple(outs)

# --- scband reference (transcript-rebuilt; emitter-appended) ---
"""Pipeline reference for scband-gin-14379550507185 (READ-ONLY COPY).

The authoritative reference and input builder live on the scoring server;
editing this copy changes nothing except your own understanding.
"""

import jax, jax.numpy as jnp
import numpy as np

N = 10000
E = 320000
D_IN = 128
D_H = 256
NUM_GIN_LAYERS = 2  # num_layers - 1 = 3 - 1


def _init_params(key):
    params = {}
    for i in range(NUM_GIN_LAYERS):
        din = D_IN if i == 0 else D_H
        k = jax.random.fold_in(key, i)
        ks = jax.random.split(k, 4)
        params[f"l{i}_W0"] = jax.random.normal(ks[0], (din, D_H), dtype=jnp.float32) * (1.0 / np.sqrt(din))
        params[f"l{i}_b0"] = jnp.zeros((D_H,), dtype=jnp.float32)
        params[f"l{i}_g0"] = jnp.ones((D_H,), dtype=jnp.float32)   # MLP hidden BN gamma
        params[f"l{i}_be0"] = jnp.zeros((D_H,), dtype=jnp.float32)  # MLP hidden BN beta
        params[f"l{i}_W1"] = jax.random.normal(ks[1], (D_H, D_H), dtype=jnp.float32) * (1.0 / np.sqrt(D_H))
        params[f"l{i}_b1"] = jnp.zeros((D_H,), dtype=jnp.float32)
        params[f"l{i}_ga"] = jnp.ones((D_H,), dtype=jnp.float32)   # ApplyNodeFunc BN gamma
        params[f"l{i}_ba"] = jnp.zeros((D_H,), dtype=jnp.float32)  # ApplyNodeFunc BN beta
        params[f"l{i}_go"] = jnp.ones((D_H,), dtype=jnp.float32)   # outer GIN BN gamma
        params[f"l{i}_bo"] = jnp.zeros((D_H,), dtype=jnp.float32)  # outer GIN BN beta
        params[f"l{i}_eps"] = jnp.zeros((), dtype=jnp.float32)     # learnable eps (learn_eps=True)
    return params


def setup_inputs(seed: int = 0) -> dict:
    key = jax.random.key(seed)
    inp = {}
    inp["h"] = jax.random.normal(jax.random.fold_in(key, 100), (N, D_IN), dtype=jnp.float32)
    inp["edge_index"] = jax.random.randint(jax.random.fold_in(key, 101), (2, E), 0, N, dtype=jnp.int32)
    inp.update(_init_params(key))
    return inp


def _bn(x, g, b):
    # BatchNorm1d in training mode: batch statistics
    m = jnp.mean(x, axis=0, keepdims=True)
    v = jnp.var(x, axis=0, keepdims=True)
    return (x - m) / jnp.sqrt(v + 1e-5) * g + b


def _forward(h, edge_index, params):
    src = edge_index[0]
    dst = edge_index[1]
    hidden_rep = [h]
    x = h
    for i in range(NUM_GIN_LAYERS):
        # GINConv with sum neighbor pooling: gather src feats, scatter-add to dst
        msg = x[src]
        agg = jnp.zeros_like(x).at[dst].add(msg)
        rst = (1.0 + params[f"l{i}_eps"]) * x + agg
        # ApplyNodeFunc: MLP (2 layers: Linear -> BN -> ReLU -> Linear), then BN, ReLU
        t = rst @ params[f"l{i}_W0"] + params[f"l{i}_b0"]
        t = jax.nn.relu(_bn(t, params[f"l{i}_g0"], params[f"l{i}_be0"]))
        t = t @ params[f"l{i}_W1"] + params[f"l{i}_b1"]
        t = jax.nn.relu(_bn(t, params[f"l{i}_ga"], params[f"l{i}_ba"]))
        # outer GIN batch_norm + relu
        t = jax.nn.relu(_bn(t, params[f"l{i}_go"], params[f"l{i}_bo"]))
        x = t
        hidden_rep.append(x)
    return tuple(hidden_rep)


def reference(h, edge_index,
              l0_W0, l0_b0, l0_g0, l0_be0, l0_W1, l0_b1, l0_ga, l0_ba, l0_go, l0_bo, l0_eps,
              l1_W0, l1_b0, l1_g0, l1_be0, l1_W1, l1_b1, l1_ga, l1_ba, l1_go, l1_bo, l1_eps):
    params = {
        "l0_W0": l0_W0, "l0_b0": l0_b0, "l0_g0": l0_g0, "l0_be0": l0_be0,
        "l0_W1": l0_W1, "l0_b1": l0_b1, "l0_ga": l0_ga, "l0_ba": l0_ba,
        "l0_go": l0_go, "l0_bo": l0_bo, "l0_eps": l0_eps,
        "l1_W0": l1_W0, "l1_b0": l1_b0, "l1_g0": l1_g0, "l1_be0": l1_be0,
        "l1_W1": l1_W1, "l1_b1": l1_b1, "l1_ga": l1_ga, "l1_ba": l1_ba,
        "l1_go": l1_go, "l1_bo": l1_bo, "l1_eps": l1_eps,
    }
    return _forward(h, edge_index, params)

if __name__ == "__main__":
    import jax
    _d = setup_inputs()
    print(jax.jit(kernel)(*tuple(_d.values())))

</pallas_src>

<mosaic_0001>
#map = affine_map<(d0, d1) -> (0, 0)>
#map1 = affine_map<(d0, d1) -> (0)>
#map2 = affine_map<(d0, d1) -> (0, 0, 0)>
module attributes {stable_mosaic.version = 14 : i64} {
  func.func @segsum(%arg0: i32, %arg1: i32, %arg2: memref<20000x128xf32, #tpu.memory_space<hbm>>, %arg3: memref<320000xi32, #tpu.memory_space<hbm>>, %arg4: memref<32x125x80xi32, #tpu.memory_space<hbm>>, %arg5: memref<10240x128xf32, #tpu.memory_space<hbm>>, %arg6: memref<2x10240x128xf32, #tpu.memory_space<hbm>>, %arg7: memref<10000xi32, #tpu.memory_space<vmem>>, %arg8: memref<125x80xi32, #tpu.memory_space<vmem>>, %arg9: memref<80x128xf32, #tpu.memory_space<vmem>>, %arg10: memref<80x128xf32, #tpu.memory_space<vmem>>, %arg11: memref<10240x128xf32, #tpu.memory_space<vmem_shared>>, %arg12: memref<!tpu.dma_semaphore, #tpu.memory_space<semaphore_mem>>, %arg13: memref<!tpu.dma_semaphore, #tpu.memory_space<semaphore_mem>>) attributes {dimension_semantics = [#tpu.dimension_semantics<core_parallel>, #tpu.dimension_semantics<subcore_parallel>], iteration_bounds = array<i64: 2, 16>, scalar_prefetch = 0 : i64, scratch_operands = 7 : i64, tpu.core_type = #tpu.core_type<sc_vector_subcore>, window_params = [{transform_indices = #map}, {transform_indices = #map1}, {transform_indices = #map2}, {transform_indices = #map}, {transform_indices = #map2}]} {
    %mul3A = arith.constant 16 : i32
    %mul3A_0 = arith.muli %arg0, %mul3A : i32
    %add3A = arith.addi %mul3A_0, %arg1 : i32
    %mul3A_1 = arith.constant 640 : i32
    %mul3A_2 = arith.muli %arg1, %mul3A_1 : i32
    %mul3A_3 = arith.constant 640 : i32
    %mul3A_4 = arith.muli %arg1, %mul3A_3 : i32
    "tpu.region"() ({
      %run_scoped3A_26 = tpu.sem_alloc : memref<!tpu.dma_semaphore, #tpu.memory_space<semaphore_mem>>
      %dma_start3A_27 = arith.constant 0 : i32
      %dma_start3A_28 = tpu.memref_slice %arg11[%mul3A_4, %dma_start3A_27] : memref<10240x128xf32, #tpu.memory_space<vmem_shared>> -> memref<640x128xf32, #tpu.memory_space<vmem_shared>>
      %dma_start3A_29 = arith.constant 0 : i32
      %dma_start3A_30 = tpu.memref_slice %arg5[%mul3A_2, %dma_start3A_29] : memref<10240x128xf32, #tpu.memory_space<hbm>> -> memref<640x128xf32, #tpu.memory_space<hbm>>
      tpu.enqueue_dma source(%dma_start3A_30 : memref<640x128xf32, #tpu.memory_space<hbm>>) target(%dma_start3A_28 : memref<640x128xf32, #tpu.memory_space<vmem_shared>>) target_semaphore(%run_scoped3A_26 : memref<!tpu.dma_semaphore, #tpu.memory_space<semaphore_mem>>)
      %dma_wait3A_31 = arith.constant 0 : i32
      %dma_wait3A_32 = tpu.memref_slice %arg11[%mul3A_4, %dma_wait3A_31] : memref<10240x128xf32, #tpu.memory_space<vmem_shared>> -> memref<640x128xf32, #tpu.memory_space<vmem_shared>>
      %dma_wait3A_33 = arith.constant 0 : i32
      %dma_wait3A_34 = tpu.memref_slice %arg5[%mul3A_2, %dma_wait3A_33] : memref<10240x128xf32, #tpu.memory_space<hbm>> -> memref<640x128xf32, #tpu.memory_space<hbm>>
      tpu.wait_dma2 semaphore(%run_scoped3A_26 : memref<!tpu.dma_semaphore, #tpu.memory_space<semaphore_mem>>) src(%dma_wait3A_34 : memref<640x128xf32, #tpu.memory_space<hbm>>) dst(%dma_wait3A_32 : memref<640x128xf32, #tpu.memory_space<vmem_shared>>)
      tpu.yield
    }) : () -> ()
    %mul3A_5 = arith.constant 10000 : i32
    %mul3A_6 = arith.muli %add3A, %mul3A_5 : i32
    "tpu.region"() ({
      %run_scoped3A_26 = tpu.sem_alloc : memref<!tpu.dma_semaphore, #tpu.memory_space<semaphore_mem>>
      %dma_start3A_27 = tpu.memref_slice %arg3[%mul3A_6] : memref<320000xi32, #tpu.memory_space<hbm>> -> memref<10000xi32, #tpu.memory_space<hbm>>
      %dma_start3A_28 = tpu.memref_slice %arg3[%mul3A_6] : memref<320000xi32, #tpu.memory_space<hbm>> -> memref<10000xi32, #tpu.memory_space<hbm>>
      tpu.enqueue_dma source(%dma_start3A_28 : memref<10000xi32, #tpu.memory_space<hbm>>) target(%arg7 : memref<10000xi32, #tpu.memory_space<vmem>>) target_semaphore(%run_scoped3A_26 : memref<!tpu.dma_semaphore, #tpu.memory_space<semaphore_mem>>)
      %dma_wait3A_29 = tpu.memref_slice %arg3[%mul3A_6] : memref<320000xi32, #tpu.memory_space<hbm>> -> memref<10000xi32, #tpu.memory_space<hbm>>
      %dma_wait3A_30 = tpu.memref_slice %arg3[%mul3A_6] : memref<320000xi32, #tpu.memory_space<hbm>> -> memref<10000xi32, #tpu.memory_space<hbm>>
      tpu.wait_dma2 semaphore(%run_scoped3A_26 : memref<!tpu.dma_semaphore, #tpu.memory_space<semaphore_mem>>) src(%dma_wait3A_30 : memref<10000xi32, #tpu.memory_space<hbm>>) dst(%arg7 : memref<10000xi32, #tpu.memory_space<vmem>>)
      tpu.yield
    }) : () -> ()
    "tpu.region"() ({
      %run_scoped3A_26 = tpu.sem_alloc : memref<!tpu.dma_semaphore, #tpu.memory_space<semaphore_mem>>
      %dma_start3A_27 = arith.constant 0 : i32
      %dma_start3A_28 = arith.constant 0 : i32
      %dma_start3A_29 = tpu.memref_slice %arg4[%add3A, %dma_start3A_27, %dma_start3A_28] : memref<32x125x80xi32, #tpu.memory_space<hbm>> -> memref<1x125x80xi32, #tpu.memory_space<hbm>>
      %dma_start3A_30 = tpu.memref_squeeze %dma_start3A_29 : memref<1x125x80xi32, #tpu.memory_space<hbm>> -> memref<125x80xi32, #tpu.memory_space<hbm>>
      %dma_start3A_31 = arith.constant 0 : i32
      %dma_start3A_32 = arith.constant 0 : i32
      %dma_start3A_33 = tpu.memref_slice %arg4[%add3A, %dma_start3A_31, %dma_start3A_32] : memref<32x125x80xi32, #tpu.memory_space<hbm>> -> memref<1x125x80xi32, #tpu.memory_space<hbm>>
      %dma_start3A_34 = tpu.memref_squeeze %dma_start3A_33 : memref<1x125x80xi32, #tpu.memory_space<hbm>> -> memref<125x80xi32, #tpu.memory_space<hbm>>
      tpu.enqueue_dma source(%dma_start3A_34 : memref<125x80xi32, #tpu.memory_space<hbm>>) target(%arg8 : memref<125x80xi32, #tpu.memory_space<vmem>>) target_semaphore(%run_scoped3A_26 : memref<!tpu.dma_semaphore, #tpu.memory_space<semaphore_mem>>)
      %dma_wait3A_35 = arith.constant 0 : i32
      %dma_wait3A_36 = arith.constant 0 : i32
      %dma_wait3A_37 = tpu.memref_slice %arg4[%add3A, %dma_wait3A_35, %dma_wait3A_36] : memref<32x125x80xi32, #tpu.memory_space<hbm>> -> memref<1x125x80xi32, #tpu.memory_space<hbm>>
      %dma_wait3A_38 = tpu.memref_squeeze %dma_wait3A_37 : memref<1x125x80xi32, #tpu.memory_space<hbm>> -> memref<125x80xi32, #tpu.memory_space<hbm>>
      %dma_wait3A_39 = arith.constant 0 : i32
      %dma_wait3A_40 = arith.constant 0 : i32
      %dma_wait3A_41 = tpu.memref_slice %arg4[%add3A, %dma_wait3A_39, %dma_wait3A_40] : memref<32x125x80xi32, #tpu.memory_space<hbm>> -> memref<1x125x80xi32, #tpu.memory_space<hbm>>
      %dma_wait3A_42 = tpu.memref_squeeze %dma_wait3A_41 : memref<1x125x80xi32, #tpu.memory_space<hbm>> -> memref<125x80xi32, #tpu.memory_space<hbm>>
      tpu.wait_dma2 semaphore(%run_scoped3A_26 : memref<!tpu.dma_semaphore, #tpu.memory_space<semaphore_mem>>) src(%dma_wait3A_42 : memref<125x80xi32, #tpu.memory_space<hbm>>) dst(%arg8 : memref<125x80xi32, #tpu.memory_space<vmem>>)
      tpu.yield
    }) : () -> ()
    %barrier3A = arith.constant 0 : index
    tpu.barrier barrier_id(%barrier3A)
    %dma_start3A = arith.constant 0 : i32
    %dma_start3A_7 = tpu.memref_slice %arg7[%dma_start3A] : memref<10000xi32, #tpu.memory_space<vmem>> -> memref<80xi32, #tpu.memory_space<vmem>>
    %dma_start3A_8 = arith.constant 0 : i32
    %dma_start3A_9 = arith.constant 0 : i32
    %dma_start3A_10 = tpu.memref_slice %arg2[%dma_start3A_8, %dma_start3A_9] : memref<20000x128xf32, #tpu.memory_space<hbm>> -> memref<20000x128xf32, #tpu.memory_space<hbm>>
    tpu.enqueue_indirect_dma source(%dma_start3A_10 : memref<20000x128xf32, #tpu.memory_space<hbm>>) target(%arg9 : memref<80x128xf32, #tpu.memory_space<vmem>>) offsets(%dma_start3A_7 : memref<80xi32, #tpu.memory_space<vmem>>) semaphore(%arg12 : memref<!tpu.dma_semaphore, #tpu.memory_space<semaphore_mem>>)
    %scan3A = arith.constant 0 : i32
    %scan3A_11 = arith.constant 0 : i32
    %scan3A_12 = arith.constant 62 : i32
    %scan3A_13 = arith.addi %scan3A_11, %scan3A_12 : i32
    %scan3A_14 = arith.constant 1 : i32
    %scan3A_15 = scf.for %scan3A_26 = %scan3A_11 to %scan3A_13 step %scan3A_14 iter_args(%scan3A_27 = %scan3A) -> (i32)  : i32 {
      %mul3A_28 = arith.constant 2 : i32
      %mul3A_29 = arith.muli %mul3A_28, %scan3A_26 : i32
      %add3A_30 = arith.constant 1 : i32
      %add3A_31 = arith.addi %mul3A_29, %add3A_30 : i32
      %mul3A_32 = arith.constant 80 : i32
      %mul3A_33 = arith.muli %add3A_31, %mul3A_32 : i32
      %dma_start3A_34 = tpu.memref_slice %arg7[%mul3A_33] : memref<10000xi32, #tpu.memory_space<vmem>> -> memref<80xi32, #tpu.memory_space<vmem>>
      %dma_start3A_35 = arith.constant 0 : i32
      %dma_start3A_36 = arith.constant 0 : i32
      %dma_start3A_37 = tpu.memref_slice %arg2[%dma_start3A_35, %dma_start3A_36] : memref<20000x128xf32, #tpu.memory_space<hbm>> -> memref<20000x128xf32, #tpu.memory_space<hbm>>
      tpu.enqueue_indirect_dma source(%dma_start3A_37 : memref<20000x128xf32, #tpu.memory_space<hbm>>) target(%arg10 : memref<80x128xf32, #tpu.memory_space<vmem>>) offsets(%dma_start3A_34 : memref<80xi32, #tpu.memory_space<vmem>>) semaphore(%arg13 : memref<!tpu.dma_semaphore, #tpu.memory_space<semaphore_mem>>)
      %dma_wait3A_38 = arith.constant 0 : i32
      %dma_wait3A_39 = tpu.memref_slice %arg7[%dma_wait3A_38] : memref<10000xi32, #tpu.memory_space<vmem>> -> memref<80xi32, #tpu.memory_space<vmem>>
      %dma_wait3A_40 = arith.constant 0 : i32
      %dma_wait3A_41 = arith.constant 0 : i32
      %dma_wait3A_42 = tpu.memref_slice %arg2[%dma_wait3A_40, %dma_wait3A_41] : memref<20000x128xf32, #tpu.memory_space<hbm>> -> memref<20000x128xf32, #tpu.memory_space<hbm>>
      tpu.wait_indirect_dma semaphore(%arg12 : memref<!tpu.dma_semaphore, #tpu.memory_space<semaphore_mem>>) src(%dma_wait3A_42 : memref<20000x128xf32, #tpu.memory_space<hbm>>) dst(%arg9 : memref<80x128xf32, #tpu.memory_space<vmem>>)
      "tpu.region"() ({
        %run_scoped3A_53 = tpu.sem_alloc : memref<!tpu.dma_semaphore, #tpu.memory_space<semaphore_mem>>
        %dma_start3A_54 = arith.constant 0 : i32
        %dma_start3A_55 = tpu.memref_slice %arg8[%mul3A_29, %dma_start3A_54] : memref<125x80xi32, #tpu.memory_space<vmem>> -> memref<1x80xi32, #tpu.memory_space<vmem>>
        %dma_start3A_56 = tpu.memref_squeeze %dma_start3A_55 : memref<1x80xi32, #tpu.memory_space<vmem>> -> memref<80xi32, #tpu.memory_space<vmem>>
        %dma_start3A_57 = arith.constant 0 : i32
        %dma_start3A_58 = arith.constant 0 : i32
        %dma_start3A_59 = tpu.memref_slice %arg11[%dma_start3A_57, %dma_start3A_58] : memref<10240x128xf32, #tpu.memory_space<vmem_shared>> -> memref<10240x128xf32, #tpu.memory_space<vmem_shared>>
        tpu.enqueue_indirect_dma source(%arg9 : memref<80x128xf32, #tpu.memory_space<vmem>>) target(%dma_start3A_59 : memref<10240x128xf32, #tpu.memory_space<vmem_shared>>) offsets(%dma_start3A_56 : memref<80xi32, #tpu.memory_space<vmem>>) semaphore(%run_scoped3A_53 : memref<!tpu.dma_semaphore, #tpu.memory_space<semaphore_mem>>) {add = true}
        %dma_wait3A_60 = arith.constant 0 : i32
        %dma_wait3A_61 = tpu.memref_slice %arg8[%mul3A_29, %dma_wait3A_60] : memref<125x80xi32, #tpu.memory_space<vmem>> -> memref<1x80xi32, #tpu.memory_space<vmem>>
        %dma_wait3A_62 = tpu.memref_squeeze %dma_wait3A_61 : memref<1x80xi32, #tpu.memory_space<vmem>> -> memref<80xi32, #tpu.memory_space<vmem>>
        %dma_wait3A_63 = arith.constant 0 : i32
        %dma_wait3A_64 = arith.constant 0 : i32
        %dma_wait3A_65 = tpu.memref_slice %arg11[%dma_wait3A_63, %dma_wait3A_64] : memref<10240x128xf32, #tpu.memory_space<vmem_shared>> -> memref<10240x128xf32, #tpu.memory_space<vmem_shared>>
        tpu.wait_indirect_dma semaphore(%run_scoped3A_53 : memref<!tpu.dma_semaphore, #tpu.memory_space<semaphore_mem>>) src(%arg9 : memref<80x128xf32, #tpu.memory_space<vmem>>) dst(%dma_wait3A_65 : memref<10240x128xf32, #tpu.memory_space<vmem_shared>>)
        tpu.yield
      }) : () -> ()
      %lt3A = arith.constant 62 : i32
      %lt3A_43 = arith.cmpi slt, %scan3A_26, %lt3A : i32
      %convert_element_type3A = arith.extui %lt3A_43 : i1 to i32
      %cond3A = arith.constant 0 : i32
      %cond3A_44 = arith.cmpi ne, %convert_element_type3A, %cond3A : i32
      scf.if %cond3A_44 {
        %add3A_53 = arith.constant 2 : i32
        %add3A_54 = arith.addi %mul3A_29, %add3A_53 : i32
        %mul3A_55 = arith.constant 80 : i32
        %mul3A_56 = arith.muli %add3A_54, %mul3A_55 : i32
        %dma_start3A_57 = tpu.memref_slice %arg7[%mul3A_56] : memref<10000xi32, #tpu.memory_space<vmem>> -> memref<80xi32, #tpu.memory_space<vmem>>
        %dma_start3A_58 = arith.constant 0 : i32
        %dma_start3A_59 = arith.constant 0 : i32
        %dma_start3A_60 = tpu.memref_slice %arg2[%dma_start3A_58, %dma_start3A_59] : memref<20000x128xf32, #tpu.memory_space<hbm>> -> memref<20000x128xf32, #tpu.memory_space<hbm>>
        tpu.enqueue_indirect_dma source(%dma_start3A_60 : memref<20000x128xf32, #tpu.memory_space<hbm>>) target(%arg9 : memref<80x128xf32, #tpu.memory_space<vmem>>) offsets(%dma_start3A_57 : memref<80xi32, #tpu.memory_space<vmem>>) semaphore(%arg12 : memref<!tpu.dma_semaphore, #tpu.memory_space<semaphore_mem>>)
      } else {
      }
      %dma_wait3A_45 = arith.constant 0 : i32
      %dma_wait3A_46 = tpu.memref_slice %arg7[%dma_wait3A_45] : memref<10000xi32, #tpu.memory_space<vmem>> -> memref<80xi32, #tpu.memory_space<vmem>>
      %dma_wait3A_47 = arith.constant 0 : i32
      %dma_wait3A_48 = arith.constant 0 : i32
      %dma_wait3A_49 = tpu.memref_slice %arg2[%dma_wait3A_47, %dma_wait3A_48] : memref<20000x128xf32, #tpu.memory_space<hbm>> -> memref<20000x128xf32, #tpu.memory_space<hbm>>
      tpu.wait_indirect_dma semaphore(%arg13 : memref<!tpu.dma_semaphore, #tpu.memory_space<semaphore_mem>>) src(%dma_wait3A_49 : memref<20000x128xf32, #tpu.memory_space<hbm>>) dst(%arg10 : memref<80x128xf32, #tpu.memory_space<vmem>>)
      %add3A_50 = arith.constant 1 : i32
      %add3A_51 = arith.addi %mul3A_29, %add3A_50 : i32
      "tpu.region"() ({
        %run_scoped3A_53 = tpu.sem_alloc : memref<!tpu.dma_semaphore, #tpu.memory_space<semaphore_mem>>
        %dma_start3A_54 = arith.constant 0 : i32
        %dma_start3A_55 = tpu.memref_slice %arg8[%add3A_51, %dma_start3A_54] : memref<125x80xi32, #tpu.memory_space<vmem>> -> memref<1x80xi32, #tpu.memory_space<vmem>>
        %dma_start3A_56 = tpu.memref_squeeze %dma_start3A_55 : memref<1x80xi32, #tpu.memory_space<vmem>> -> memref<80xi32, #tpu.memory_space<vmem>>
        %dma_start3A_57 = arith.constant 0 : i32
        %dma_start3A_58 = arith.constant 0 : i32
        %dma_start3A_59 = tpu.memref_slice %arg11[%dma_start3A_57, %dma_start3A_58] : memref<10240x128xf32, #tpu.memory_space<vmem_shared>> -> memref<10240x128xf32, #tpu.memory_space<vmem_shared>>
        tpu.enqueue_indirect_dma source(%arg10 : memref<80x128xf32, #tpu.memory_space<vmem>>) target(%dma_start3A_59 : memref<10240x128xf32, #tpu.memory_space<vmem_shared>>) offsets(%dma_start3A_56 : memref<80xi32, #tpu.memory_space<vmem>>) semaphore(%run_scoped3A_53 : memref<!tpu.dma_semaphore, #tpu.memory_space<semaphore_mem>>) {add = true}
        %dma_wait3A_60 = arith.constant 0 : i32
        %dma_wait3A_61 = tpu.memref_slice %arg8[%add3A_51, %dma_wait3A_60] : memref<125x80xi32, #tpu.memory_space<vmem>> -> memref<1x80xi32, #tpu.memory_space<vmem>>
        %dma_wait3A_62 = tpu.memref_squeeze %dma_wait3A_61 : memref<1x80xi32, #tpu.memory_space<vmem>> -> memref<80xi32, #tpu.memory_space<vmem>>
        %dma_wait3A_63 = arith.constant 0 : i32
        %dma_wait3A_64 = arith.constant 0 : i32
        %dma_wait3A_65 = tpu.memref_slice %arg11[%dma_wait3A_63, %dma_wait3A_64] : memref<10240x128xf32, #tpu.memory_space<vmem_shared>> -> memref<10240x128xf32, #tpu.memory_space<vmem_shared>>
        tpu.wait_indirect_dma semaphore(%run_scoped3A_53 : memref<!tpu.dma_semaphore, #tpu.memory_space<semaphore_mem>>) src(%arg10 : memref<80x128xf32, #tpu.memory_space<vmem>>) dst(%dma_wait3A_65 : memref<10240x128xf32, #tpu.memory_space<vmem_shared>>)
        tpu.yield
      }) : () -> ()
      %scan3A_52 = arith.constant 0 : i32
      scf.yield %scan3A_52 : i32
    }
    %scan3A_16 = arith.constant 62 : i32
    %dma_wait3A = arith.constant 0 : i32
    %dma_wait3A_17 = tpu.memref_slice %arg7[%dma_wait3A] : memref<10000xi32, #tpu.memory_space<vmem>> -> memref<80xi32, #tpu.memory_space<vmem>>
    %dma_wait3A_18 = arith.constant 0 : i32
    %dma_wait3A_19 = arith.constant 0 : i32
    %dma_wait3A_20 = tpu.memref_slice %arg2[%dma_wait3A_18, %dma_wait3A_19] : memref<20000x128xf32, #tpu.memory_space<hbm>> -> memref<20000x128xf32, #tpu.memory_space<hbm>>
    tpu.wait_indirect_dma semaphore(%arg12 : memref<!tpu.dma_semaphore, #tpu.memory_space<semaphore_mem>>) src(%dma_wait3A_20 : memref<20000x128xf32, #tpu.memory_space<hbm>>) dst(%arg9 : memref<80x128xf32, #tpu.memory_space<vmem>>)
    %run_scoped3A = arith.constant 124 : i32
    "tpu.region"() ({
      %run_scoped3A_26 = tpu.sem_alloc : memref<!tpu.dma_semaphore, #tpu.memory_space<semaphore_mem>>
      %dma_start3A_27 = arith.constant 0 : i32
      %dma_start3A_28 = tpu.memref_slice %arg8[%run_scoped3A, %dma_start3A_27] : memref<125x80xi32, #tpu.memory_space<vmem>> -> memref<1x80xi32, #tpu.memory_space<vmem>>
      %dma_start3A_29 = tpu.memref_squeeze %dma_start3A_28 : memref<1x80xi32, #tpu.memory_space<vmem>> -> memref<80xi32, #tpu.memory_space<vmem>>
      %dma_start3A_30 = arith.constant 0 : i32
      %dma_start3A_31 = arith.constant 0 : i32
      %dma_start3A_32 = tpu.memref_slice %arg11[%dma_start3A_30, %dma_start3A_31] : memref<10240x128xf32, #tpu.memory_space<vmem_shared>> -> memref<10240x128xf32, #tpu.memory_space<vmem_shared>>
      tpu.enqueue_indirect_dma source(%arg9 : memref<80x128xf32, #tpu.memory_space<vmem>>) target(%dma_start3A_32 : memref<10240x128xf32, #tpu.memory_space<vmem_shared>>) offsets(%dma_start3A_29 : memref<80xi32, #tpu.memory_space<vmem>>) semaphore(%run_scoped3A_26 : memref<!tpu.dma_semaphore, #tpu.memory_space<semaphore_mem>>) {add = true}
      %dma_wait3A_33 = arith.constant 0 : i32
      %dma_wait3A_34 = tpu.memref_slice %arg8[%run_scoped3A, %dma_wait3A_33] : memref<125x80xi32, #tpu.memory_space<vmem>> -> memref<1x80xi32, #tpu.memory_space<vmem>>
      %dma_wait3A_35 = tpu.memref_squeeze %dma_wait3A_34 : memref<1x80xi32, #tpu.memory_space<vmem>> -> memref<80xi32, #tpu.memory_space<vmem>>
      %dma_wait3A_36 = arith.constant 0 : i32
      %dma_wait3A_37 = arith.constant 0 : i32
      %dma_wait3A_38 = tpu.memref_slice %arg11[%dma_wait3A_36, %dma_wait3A_37] : memref<10240x128xf32, #tpu.memory_space<vmem_shared>> -> memref<10240x128xf32, #tpu.memory_space<vmem_shared>>
      tpu.wait_indirect_dma semaphore(%run_scoped3A_26 : memref<!tpu.dma_semaphore, #tpu.memory_space<semaphore_mem>>) src(%arg9 : memref<80x128xf32, #tpu.memory_space<vmem>>) dst(%dma_wait3A_38 : memref<10240x128xf32, #tpu.memory_space<vmem_shared>>)
      tpu.yield
    }) : () -> ()
    %barrier3A_21 = arith.constant 0 : index
    tpu.barrier barrier_id(%barrier3A_21)
    %mul3A_22 = arith.constant 640 : i32
    %mul3A_23 = arith.muli %arg1, %mul3A_22 : i32
    %mul3A_24 = arith.constant 640 : i32
    %mul3A_25 = arith.muli %arg1, %mul3A_24 : i32
    "tpu.region"() ({
      %run_scoped3A_26 = tpu.sem_alloc : memref<!tpu.dma_semaphore, #tpu.memory_space<semaphore_mem>>
      %dma_start3A_27 = arith.constant 0 : i32
      %dma_start3A_28 = tpu.memref_slice %arg6[%arg0, %mul3A_25, %dma_start3A_27] : memref<2x10240x128xf32, #tpu.memory_space<hbm>> -> memref<1x640x128xf32, #tpu.memory_space<hbm>>
      %dma_start3A_29 = tpu.memref_squeeze %dma_start3A_28 : memref<1x640x128xf32, #tpu.memory_space<hbm>> -> memref<640x128xf32, #tpu.memory_space<hbm>>
      %dma_start3A_30 = arith.constant 0 : i32
      %dma_start3A_31 = tpu.memref_slice %arg11[%mul3A_23, %dma_start3A_30] : memref<10240x128xf32, #tpu.memory_space<vmem_shared>> -> memref<640x128xf32, #tpu.memory_space<vmem_shared>>
      tpu.enqueue_dma source(%dma_start3A_31 : memref<640x128xf32, #tpu.memory_space<vmem_shared>>) target(%dma_start3A_29 : memref<640x128xf32, #tpu.memory_space<hbm>>) target_semaphore(%run_scoped3A_26 : memref<!tpu.dma_semaphore, #tpu.memory_space<semaphore_mem>>)
      %dma_wait3A_32 = arith.constant 0 : i32
      %dma_wait3A_33 = tpu.memref_slice %arg6[%arg0, %mul3A_25, %dma_wait3A_32] : memref<2x10240x128xf32, #tpu.memory_space<hbm>> -> memref<1x640x128xf32, #tpu.memory_space<hbm>>
      %dma_wait3A_34 = tpu.memref_squeeze %dma_wait3A_33 : memref<1x640x128xf32, #tpu.memory_space<hbm>> -> memref<640x128xf32, #tpu.memory_space<hbm>>
      %dma_wait3A_35 = arith.constant 0 : i32
      %dma_wait3A_36 = tpu.memref_slice %arg11[%mul3A_23, %dma_wait3A_35] : memref<10240x128xf32, #tpu.memory_space<vmem_shared>> -> memref<640x128xf32, #tpu.memory_space<vmem_shared>>
      tpu.wait_dma2 semaphore(%run_scoped3A_26 : memref<!tpu.dma_semaphore, #tpu.memory_space<semaphore_mem>>) src(%dma_wait3A_36 : memref<640x128xf32, #tpu.memory_space<vmem_shared>>) dst(%dma_wait3A_34 : memref<640x128xf32, #tpu.memory_space<hbm>>)
      tpu.yield
    }) : () -> ()
    return
  }
}

#map = affine_map<(d0, d1) -> (0, 0)>
#map1 = affine_map<(d0, d1) -> (0)>
#map2 = affine_map<(d0, d1) -> (0, 0, 0)>
module attributes {stable_mosaic.version = 14 : i64} {
  func.func @segsum(%arg0: i32, %arg1: i32, %arg2: memref<10000x128xf32, #tpu.memory_space<hbm>>, %arg3: memref<320000xi32, #tpu.memory_space<hbm>>, %arg4: memref<32x125x80xi32, #tpu.memory_space<hbm>>, %arg5: memref<10240x128xf32, #tpu.memory_space<hbm>>, %arg6: memref<2x10240x128xf32, #tpu.memory_space<hbm>>, %arg7: memref<10000xi32, #tpu.memory_space<vmem>>, %arg8: memref<125x80xi32, #tpu.memory_space<vmem>>, %arg9: memref<80x128xf32, #tpu.memory_space<vmem>>, %arg10: memref<80x128xf32, #tpu.memory_space<vmem>>, %arg11: memref<10240x128xf32, #tpu.memory_space<vmem_shared>>, %arg12: memref<!tpu.dma_semaphore, #tpu.memory_space<semaphore_mem>>, %arg13: memref<!tpu.dma_semaphore, #tpu.memory_space<semaphore_mem>>) attributes {dimension_semantics = [#tpu.dimension_semantics<core_parallel>, #tpu.dimension_semantics<subcore_parallel>], iteration_bounds = array<i64: 2, 16>, scalar_prefetch = 0 : i64, scratch_operands = 7 : i64, tpu.core_type = #tpu.core_type<sc_vector_subcore>, window_params = [{transform_indices = #map}, {transform_indices = #map1}, {transform_indices = #map2}, {transform_indices = #map}, {transform_indices = #map2}]} {
    %mul3A = arith.constant 16 : i32
    %mul3A_0 = arith.muli %arg0, %mul3A : i32
    %add3A = arith.addi %mul3A_0, %arg1 : i32
    %mul3A_1 = arith.constant 640 : i32
    %mul3A_2 = arith.muli %arg1, %mul3A_1 : i32
    %mul3A_3 = arith.constant 640 : i32
    %mul3A_4 = arith.muli %arg1, %mul3A_3 : i32
    "tpu.region"() ({
      %run_scoped3A_26 = tpu.sem_alloc : memref<!tpu.dma_semaphore, #tpu.memory_space<semaphore_mem>>
      %dma_start3A_27 = arith.constant 0 : i32
      %dma_start3A_28 = tpu.memref_slice %arg11[%mul3A_4, %dma_start3A_27] : memref<10240x128xf32, #tpu.memory_space<vmem_shared>> -> memref<640x128xf32, #tpu.memory_space<vmem_shared>>
      %dma_start3A_29 = arith.constant 0 : i32
      %dma_start3A_30 = tpu.memref_slice %arg5[%mul3A_2, %dma_start3A_29] : memref<10240x128xf32, #tpu.memory_space<hbm>> -> memref<640x128xf32, #tpu.memory_space<hbm>>
      tpu.enqueue_dma source(%dma_start3A_30 : memref<640x128xf32, #tpu.memory_space<hbm>>) target(%dma_start3A_28 : memref<640x128xf32, #tpu.memory_space<vmem_shared>>) target_semaphore(%run_scoped3A_26 : memref<!tpu.dma_semaphore, #tpu.memory_space<semaphore_mem>>)
      %dma_wait3A_31 = arith.constant 0 : i32
      %dma_wait3A_32 = tpu.memref_slice %arg11[%mul3A_4, %dma_wait3A_31] : memref<10240x128xf32, #tpu.memory_space<vmem_shared>> -> memref<640x128xf32, #tpu.memory_space<vmem_shared>>
      %dma_wait3A_33 = arith.constant 0 : i32
      %dma_wait3A_34 = tpu.memref_slice %arg5[%mul3A_2, %dma_wait3A_33] : memref<10240x128xf32, #tpu.memory_space<hbm>> -> memref<640x128xf32, #tpu.memory_space<hbm>>
      tpu.wait_dma2 semaphore(%run_scoped3A_26 : memref<!tpu.dma_semaphore, #tpu.memory_space<semaphore_mem>>) src(%dma_wait3A_34 : memref<640x128xf32, #tpu.memory_space<hbm>>) dst(%dma_wait3A_32 : memref<640x128xf32, #tpu.memory_space<vmem_shared>>)
      tpu.yield
    }) : () -> ()
    %mul3A_5 = arith.constant 10000 : i32
    %mul3A_6 = arith.muli %add3A, %mul3A_5 : i32
    "tpu.region"() ({
      %run_scoped3A_26 = tpu.sem_alloc : memref<!tpu.dma_semaphore, #tpu.memory_space<semaphore_mem>>
      %dma_start3A_27 = tpu.memref_slice %arg3[%mul3A_6] : memref<320000xi32, #tpu.memory_space<hbm>> -> memref<10000xi32, #tpu.memory_space<hbm>>
      %dma_start3A_28 = tpu.memref_slice %arg3[%mul3A_6] : memref<320000xi32, #tpu.memory_space<hbm>> -> memref<10000xi32, #tpu.memory_space<hbm>>
      tpu.enqueue_dma source(%dma_start3A_28 : memref<10000xi32, #tpu.memory_space<hbm>>) target(%arg7 : memref<10000xi32, #tpu.memory_space<vmem>>) target_semaphore(%run_scoped3A_26 : memref<!tpu.dma_semaphore, #tpu.memory_space<semaphore_mem>>)
      %dma_wait3A_29 = tpu.memref_slice %arg3[%mul3A_6] : memref<320000xi32, #tpu.memory_space<hbm>> -> memref<10000xi32, #tpu.memory_space<hbm>>
      %dma_wait3A_30 = tpu.memref_slice %arg3[%mul3A_6] : memref<320000xi32, #tpu.memory_space<hbm>> -> memref<10000xi32, #tpu.memory_space<hbm>>
      tpu.wait_dma2 semaphore(%run_scoped3A_26 : memref<!tpu.dma_semaphore, #tpu.memory_space<semaphore_mem>>) src(%dma_wait3A_30 : memref<10000xi32, #tpu.memory_space<hbm>>) dst(%arg7 : memref<10000xi32, #tpu.memory_space<vmem>>)
      tpu.yield
    }) : () -> ()
    "tpu.region"() ({
      %run_scoped3A_26 = tpu.sem_alloc : memref<!tpu.dma_semaphore, #tpu.memory_space<semaphore_mem>>
      %dma_start3A_27 = arith.constant 0 : i32
      %dma_start3A_28 = arith.constant 0 : i32
      %dma_start3A_29 = tpu.memref_slice %arg4[%add3A, %dma_start3A_27, %dma_start3A_28] : memref<32x125x80xi32, #tpu.memory_space<hbm>> -> memref<1x125x80xi32, #tpu.memory_space<hbm>>
      %dma_start3A_30 = tpu.memref_squeeze %dma_start3A_29 : memref<1x125x80xi32, #tpu.memory_space<hbm>> -> memref<125x80xi32, #tpu.memory_space<hbm>>
      %dma_start3A_31 = arith.constant 0 : i32
      %dma_start3A_32 = arith.constant 0 : i32
      %dma_start3A_33 = tpu.memref_slice %arg4[%add3A, %dma_start3A_31, %dma_start3A_32] : memref<32x125x80xi32, #tpu.memory_space<hbm>> -> memref<1x125x80xi32, #tpu.memory_space<hbm>>
      %dma_start3A_34 = tpu.memref_squeeze %dma_start3A_33 : memref<1x125x80xi32, #tpu.memory_space<hbm>> -> memref<125x80xi32, #tpu.memory_space<hbm>>
      tpu.enqueue_dma source(%dma_start3A_34 : memref<125x80xi32, #tpu.memory_space<hbm>>) target(%arg8 : memref<125x80xi32, #tpu.memory_space<vmem>>) target_semaphore(%run_scoped3A_26 : memref<!tpu.dma_semaphore, #tpu.memory_space<semaphore_mem>>)
      %dma_wait3A_35 = arith.constant 0 : i32
      %dma_wait3A_36 = arith.constant 0 : i32
      %dma_wait3A_37 = tpu.memref_slice %arg4[%add3A, %dma_wait3A_35, %dma_wait3A_36] : memref<32x125x80xi32, #tpu.memory_space<hbm>> -> memref<1x125x80xi32, #tpu.memory_space<hbm>>
      %dma_wait3A_38 = tpu.memref_squeeze %dma_wait3A_37 : memref<1x125x80xi32, #tpu.memory_space<hbm>> -> memref<125x80xi32, #tpu.memory_space<hbm>>
      %dma_wait3A_39 = arith.constant 0 : i32
      %dma_wait3A_40 = arith.constant 0 : i32
      %dma_wait3A_41 = tpu.memref_slice %arg4[%add3A, %dma_wait3A_39, %dma_wait3A_40] : memref<32x125x80xi32, #tpu.memory_space<hbm>> -> memref<1x125x80xi32, #tpu.memory_space<hbm>>
      %dma_wait3A_42 = tpu.memref_squeeze %dma_wait3A_41 : memref<1x125x80xi32, #tpu.memory_space<hbm>> -> memref<125x80xi32, #tpu.memory_space<hbm>>
      tpu.wait_dma2 semaphore(%run_scoped3A_26 : memref<!tpu.dma_semaphore, #tpu.memory_space<semaphore_mem>>) src(%dma_wait3A_42 : memref<125x80xi32, #tpu.memory_space<hbm>>) dst(%arg8 : memref<125x80xi32, #tpu.memory_space<vmem>>)
      tpu.yield
    }) : () -> ()
    %barrier3A = arith.constant 0 : index
    tpu.barrier barrier_id(%barrier3A)
    %dma_start3A = arith.constant 0 : i32
    %dma_start3A_7 = tpu.memref_slice %arg7[%dma_start3A] : memref<10000xi32, #tpu.memory_space<vmem>> -> memref<80xi32, #tpu.memory_space<vmem>>
    %dma_start3A_8 = arith.constant 0 : i32
    %dma_start3A_9 = arith.constant 0 : i32
    %dma_start3A_10 = tpu.memref_slice %arg2[%dma_start3A_8, %dma_start3A_9] : memref<10000x128xf32, #tpu.memory_space<hbm>> -> memref<10000x128xf32, #tpu.memory_space<hbm>>
    tpu.enqueue_indirect_dma source(%dma_start3A_10 : memref<10000x128xf32, #tpu.memory_space<hbm>>) target(%arg9 : memref<80x128xf32, #tpu.memory_space<vmem>>) offsets(%dma_start3A_7 : memref<80xi32, #tpu.memory_space<vmem>>) semaphore(%arg12 : memref<!tpu.dma_semaphore, #tpu.memory_space<semaphore_mem>>)
    %scan3A = arith.constant 0 : i32
    %scan3A_11 = arith.constant 0 : i32
    %scan3A_12 = arith.constant 62 : i32
    %scan3A_13 = arith.addi %scan3A_11, %scan3A_12 : i32
    %scan3A_14 = arith.constant 1 : i32
    %scan3A_15 = scf.for %scan3A_26 = %scan3A_11 to %scan3A_13 step %scan3A_14 iter_args(%scan3A_27 = %scan3A) -> (i32)  : i32 {
      %mul3A_28 = arith.constant 2 : i32
      %mul3A_29 = arith.muli %mul3A_28, %scan3A_26 : i32
      %add3A_30 = arith.constant 1 : i32
      %add3A_31 = arith.addi %mul3A_29, %add3A_30 : i32
      %mul3A_32 = arith.constant 80 : i32
      %mul3A_33 = arith.muli %add3A_31, %mul3A_32 : i32
      %dma_start3A_34 = tpu.memref_slice %arg7[%mul3A_33] : memref<10000xi32, #tpu.memory_space<vmem>> -> memref<80xi32, #tpu.memory_space<vmem>>
      %dma_start3A_35 = arith.constant 0 : i32
      %dma_start3A_36 = arith.constant 0 : i32
      %dma_start3A_37 = tpu.memref_slice %arg2[%dma_start3A_35, %dma_start3A_36] : memref<10000x128xf32, #tpu.memory_space<hbm>> -> memref<10000x128xf32, #tpu.memory_space<hbm>>
      tpu.enqueue_indirect_dma source(%dma_start3A_37 : memref<10000x128xf32, #tpu.memory_space<hbm>>) target(%arg10 : memref<80x128xf32, #tpu.memory_space<vmem>>) offsets(%dma_start3A_34 : memref<80xi32, #tpu.memory_space<vmem>>) semaphore(%arg13 : memref<!tpu.dma_semaphore, #tpu.memory_space<semaphore_mem>>)
      %dma_wait3A_38 = arith.constant 0 : i32
      %dma_wait3A_39 = tpu.memref_slice %arg7[%dma_wait3A_38] : memref<10000xi32, #tpu.memory_space<vmem>> -> memref<80xi32, #tpu.memory_space<vmem>>
      %dma_wait3A_40 = arith.constant 0 : i32
      %dma_wait3A_41 = arith.constant 0 : i32
      %dma_wait3A_42 = tpu.memref_slice %arg2[%dma_wait3A_40, %dma_wait3A_41] : memref<10000x128xf32, #tpu.memory_space<hbm>> -> memref<10000x128xf32, #tpu.memory_space<hbm>>
      tpu.wait_indirect_dma semaphore(%arg12 : memref<!tpu.dma_semaphore, #tpu.memory_space<semaphore_mem>>) src(%dma_wait3A_42 : memref<10000x128xf32, #tpu.memory_space<hbm>>) dst(%arg9 : memref<80x128xf32, #tpu.memory_space<vmem>>)
      "tpu.region"() ({
        %run_scoped3A_53 = tpu.sem_alloc : memref<!tpu.dma_semaphore, #tpu.memory_space<semaphore_mem>>
        %dma_start3A_54 = arith.constant 0 : i32
        %dma_start3A_55 = tpu.memref_slice %arg8[%mul3A_29, %dma_start3A_54] : memref<125x80xi32, #tpu.memory_space<vmem>> -> memref<1x80xi32, #tpu.memory_space<vmem>>
        %dma_start3A_56 = tpu.memref_squeeze %dma_start3A_55 : memref<1x80xi32, #tpu.memory_space<vmem>> -> memref<80xi32, #tpu.memory_space<vmem>>
        %dma_start3A_57 = arith.constant 0 : i32
        %dma_start3A_58 = arith.constant 0 : i32
        %dma_start3A_59 = tpu.memref_slice %arg11[%dma_start3A_57, %dma_start3A_58] : memref<10240x128xf32, #tpu.memory_space<vmem_shared>> -> memref<10240x128xf32, #tpu.memory_space<vmem_shared>>
        tpu.enqueue_indirect_dma source(%arg9 : memref<80x128xf32, #tpu.memory_space<vmem>>) target(%dma_start3A_59 : memref<10240x128xf32, #tpu.memory_space<vmem_shared>>) offsets(%dma_start3A_56 : memref<80xi32, #tpu.memory_space<vmem>>) semaphore(%run_scoped3A_53 : memref<!tpu.dma_semaphore, #tpu.memory_space<semaphore_mem>>) {add = true}
        %dma_wait3A_60 = arith.constant 0 : i32
        %dma_wait3A_61 = tpu.memref_slice %arg8[%mul3A_29, %dma_wait3A_60] : memref<125x80xi32, #tpu.memory_space<vmem>> -> memref<1x80xi32, #tpu.memory_space<vmem>>
        %dma_wait3A_62 = tpu.memref_squeeze %dma_wait3A_61 : memref<1x80xi32, #tpu.memory_space<vmem>> -> memref<80xi32, #tpu.memory_space<vmem>>
        %dma_wait3A_63 = arith.constant 0 : i32
        %dma_wait3A_64 = arith.constant 0 : i32
        %dma_wait3A_65 = tpu.memref_slice %arg11[%dma_wait3A_63, %dma_wait3A_64] : memref<10240x128xf32, #tpu.memory_space<vmem_shared>> -> memref<10240x128xf32, #tpu.memory_space<vmem_shared>>
        tpu.wait_indirect_dma semaphore(%run_scoped3A_53 : memref<!tpu.dma_semaphore, #tpu.memory_space<semaphore_mem>>) src(%arg9 : memref<80x128xf32, #tpu.memory_space<vmem>>) dst(%dma_wait3A_65 : memref<10240x128xf32, #tpu.memory_space<vmem_shared>>)
        tpu.yield
      }) : () -> ()
      %lt3A = arith.constant 62 : i32
      %lt3A_43 = arith.cmpi slt, %scan3A_26, %lt3A : i32
      %convert_element_type3A = arith.extui %lt3A_43 : i1 to i32
      %cond3A = arith.constant 0 : i32
      %cond3A_44 = arith.cmpi ne, %convert_element_type3A, %cond3A : i32
      scf.if %cond3A_44 {
        %add3A_53 = arith.constant 2 : i32
        %add3A_54 = arith.addi %mul3A_29, %add3A_53 : i32
        %mul3A_55 = arith.constant 80 : i32
        %mul3A_56 = arith.muli %add3A_54, %mul3A_55 : i32
        %dma_start3A_57 = tpu.memref_slice %arg7[%mul3A_56] : memref<10000xi32, #tpu.memory_space<vmem>> -> memref<80xi32, #tpu.memory_space<vmem>>
        %dma_start3A_58 = arith.constant 0 : i32
        %dma_start3A_59 = arith.constant 0 : i32
        %dma_start3A_60 = tpu.memref_slice %arg2[%dma_start3A_58, %dma_start3A_59] : memref<10000x128xf32, #tpu.memory_space<hbm>> -> memref<10000x128xf32, #tpu.memory_space<hbm>>
        tpu.enqueue_indirect_dma source(%dma_start3A_60 : memref<10000x128xf32, #tpu.memory_space<hbm>>) target(%arg9 : memref<80x128xf32, #tpu.memory_space<vmem>>) offsets(%dma_start3A_57 : memref<80xi32, #tpu.memory_space<vmem>>) semaphore(%arg12 : memref<!tpu.dma_semaphore, #tpu.memory_space<semaphore_mem>>)
      } else {
      }
      %dma_wait3A_45 = arith.constant 0 : i32
      %dma_wait3A_46 = tpu.memref_slice %arg7[%dma_wait3A_45] : memref<10000xi32, #tpu.memory_space<vmem>> -> memref<80xi32, #tpu.memory_space<vmem>>
      %dma_wait3A_47 = arith.constant 0 : i32
      %dma_wait3A_48 = arith.constant 0 : i32
      %dma_wait3A_49 = tpu.memref_slice %arg2[%dma_wait3A_47, %dma_wait3A_48] : memref<10000x128xf32, #tpu.memory_space<hbm>> -> memref<10000x128xf32, #tpu.memory_space<hbm>>
      tpu.wait_indirect_dma semaphore(%arg13 : memref<!tpu.dma_semaphore, #tpu.memory_space<semaphore_mem>>) src(%dma_wait3A_49 : memref<10000x128xf32, #tpu.memory_space<hbm>>) dst(%arg10 : memref<80x128xf32, #tpu.memory_space<vmem>>)
      %add3A_50 = arith.constant 1 : i32
      %add3A_51 = arith.addi %mul3A_29, %add3A_50 : i32
      "tpu.region"() ({
        %run_scoped3A_53 = tpu.sem_alloc : memref<!tpu.dma_semaphore, #tpu.memory_space<semaphore_mem>>
        %dma_start3A_54 = arith.constant 0 : i32
        %dma_start3A_55 = tpu.memref_slice %arg8[%add3A_51, %dma_start3A_54] : memref<125x80xi32, #tpu.memory_space<vmem>> -> memref<1x80xi32, #tpu.memory_space<vmem>>
        %dma_start3A_56 = tpu.memref_squeeze %dma_start3A_55 : memref<1x80xi32, #tpu.memory_space<vmem>> -> memref<80xi32, #tpu.memory_space<vmem>>
        %dma_start3A_57 = arith.constant 0 : i32
        %dma_start3A_58 = arith.constant 0 : i32
        %dma_start3A_59 = tpu.memref_slice %arg11[%dma_start3A_57, %dma_start3A_58] : memref<10240x128xf32, #tpu.memory_space<vmem_shared>> -> memref<10240x128xf32, #tpu.memory_space<vmem_shared>>
        tpu.enqueue_indirect_dma source(%arg10 : memref<80x128xf32, #tpu.memory_space<vmem>>) target(%dma_start3A_59 : memref<10240x128xf32, #tpu.memory_space<vmem_shared>>) offsets(%dma_start3A_56 : memref<80xi32, #tpu.memory_space<vmem>>) semaphore(%run_scoped3A_53 : memref<!tpu.dma_semaphore, #tpu.memory_space<semaphore_mem>>) {add = true}
        %dma_wait3A_60 = arith.constant 0 : i32
        %dma_wait3A_61 = tpu.memref_slice %arg8[%add3A_51, %dma_wait3A_60] : memref<125x80xi32, #tpu.memory_space<vmem>> -> memref<1x80xi32, #tpu.memory_space<vmem>>
        %dma_wait3A_62 = tpu.memref_squeeze %dma_wait3A_61 : memref<1x80xi32, #tpu.memory_space<vmem>> -> memref<80xi32, #tpu.memory_space<vmem>>
        %dma_wait3A_63 = arith.constant 0 : i32
        %dma_wait3A_64 = arith.constant 0 : i32
        %dma_wait3A_65 = tpu.memref_slice %arg11[%dma_wait3A_63, %dma_wait3A_64] : memref<10240x128xf32, #tpu.memory_space<vmem_shared>> -> memref<10240x128xf32, #tpu.memory_space<vmem_shared>>
        tpu.wait_indirect_dma semaphore(%run_scoped3A_53 : memref<!tpu.dma_semaphore, #tpu.memory_space<semaphore_mem>>) src(%arg10 : memref<80x128xf32, #tpu.memory_space<vmem>>) dst(%dma_wait3A_65 : memref<10240x128xf32, #tpu.memory_space<vmem_shared>>)
        tpu.yield
      }) : () -> ()
      %scan3A_52 = arith.constant 0 : i32
      scf.yield %scan3A_52 : i32
    }
    %scan3A_16 = arith.constant 62 : i32
    %dma_wait3A = arith.constant 0 : i32
    %dma_wait3A_17 = tpu.memref_slice %arg7[%dma_wait3A] : memref<10000xi32, #tpu.memory_space<vmem>> -> memref<80xi32, #tpu.memory_space<vmem>>
    %dma_wait3A_18 = arith.constant 0 : i32
    %dma_wait3A_19 = arith.constant 0 : i32
    %dma_wait3A_20 = tpu.memref_slice %arg2[%dma_wait3A_18, %dma_wait3A_19] : memref<10000x128xf32, #tpu.memory_space<hbm>> -> memref<10000x128xf32, #tpu.memory_space<hbm>>
    tpu.wait_indirect_dma semaphore(%arg12 : memref<!tpu.dma_semaphore, #tpu.memory_space<semaphore_mem>>) src(%dma_wait3A_20 : memref<10000x128xf32, #tpu.memory_space<hbm>>) dst(%arg9 : memref<80x128xf32, #tpu.memory_space<vmem>>)
    %run_scoped3A = arith.constant 124 : i32
    "tpu.region"() ({
      %run_scoped3A_26 = tpu.sem_alloc : memref<!tpu.dma_semaphore, #tpu.memory_space<semaphore_mem>>
      %dma_start3A_27 = arith.constant 0 : i32
      %dma_start3A_28 = tpu.memref_slice %arg8[%run_scoped3A, %dma_start3A_27] : memref<125x80xi32, #tpu.memory_space<vmem>> -> memref<1x80xi32, #tpu.memory_space<vmem>>
      %dma_start3A_29 = tpu.memref_squeeze %dma_start3A_28 : memref<1x80xi32, #tpu.memory_space<vmem>> -> memref<80xi32, #tpu.memory_space<vmem>>
      %dma_start3A_30 = arith.constant 0 : i32
      %dma_start3A_31 = arith.constant 0 : i32
      %dma_start3A_32 = tpu.memref_slice %arg11[%dma_start3A_30, %dma_start3A_31] : memref<10240x128xf32, #tpu.memory_space<vmem_shared>> -> memref<10240x128xf32, #tpu.memory_space<vmem_shared>>
      tpu.enqueue_indirect_dma source(%arg9 : memref<80x128xf32, #tpu.memory_space<vmem>>) target(%dma_start3A_32 : memref<10240x128xf32, #tpu.memory_space<vmem_shared>>) offsets(%dma_start3A_29 : memref<80xi32, #tpu.memory_space<vmem>>) semaphore(%run_scoped3A_26 : memref<!tpu.dma_semaphore, #tpu.memory_space<semaphore_mem>>) {add = true}
      %dma_wait3A_33 = arith.constant 0 : i32
      %dma_wait3A_34 = tpu.memref_slice %arg8[%run_scoped3A, %dma_wait3A_33] : memref<125x80xi32, #tpu.memory_space<vmem>> -> memref<1x80xi32, #tpu.memory_space<vmem>>
      %dma_wait3A_35 = tpu.memref_squeeze %dma_wait3A_34 : memref<1x80xi32, #tpu.memory_space<vmem>> -> memref<80xi32, #tpu.memory_space<vmem>>
      %dma_wait3A_36 = arith.constant 0 : i32
      %dma_wait3A_37 = arith.constant 0 : i32
      %dma_wait3A_38 = tpu.memref_slice %arg11[%dma_wait3A_36, %dma_wait3A_37] : memref<10240x128xf32, #tpu.memory_space<vmem_shared>> -> memref<10240x128xf32, #tpu.memory_space<vmem_shared>>
      tpu.wait_indirect_dma semaphore(%run_scoped3A_26 : memref<!tpu.dma_semaphore, #tpu.memory_space<semaphore_mem>>) src(%arg9 : memref<80x128xf32, #tpu.memory_space<vmem>>) dst(%dma_wait3A_38 : memref<10240x128xf32, #tpu.memory_space<vmem_shared>>)
      tpu.yield
    }) : () -> ()
    %barrier3A_21 = arith.constant 0 : index
    tpu.barrier barrier_id(%barrier3A_21)
    %mul3A_22 = arith.constant 640 : i32
    %mul3A_23 = arith.muli %arg1, %mul3A_22 : i32
    %mul3A_24 = arith.constant 640 : i32
    %mul3A_25 = arith.muli %arg1, %mul3A_24 : i32
    "tpu.region"() ({
      %run_scoped3A_26 = tpu.sem_alloc : memref<!tpu.dma_semaphore, #tpu.memory_space<semaphore_mem>>
      %dma_start3A_27 = arith.constant 0 : i32
      %dma_start3A_28 = tpu.memref_slice %arg6[%arg0, %mul3A_25, %dma_start3A_27] : memref<2x10240x128xf32, #tpu.memory_space<hbm>> -> memref<1x640x128xf32, #tpu.memory_space<hbm>>
      %dma_start3A_29 = tpu.memref_squeeze %dma_start3A_28 : memref<1x640x128xf32, #tpu.memory_space<hbm>> -> memref<640x128xf32, #tpu.memory_space<hbm>>
      %dma_start3A_30 = arith.constant 0 : i32
      %dma_start3A_31 = tpu.memref_slice %arg11[%mul3A_23, %dma_start3A_30] : memref<10240x128xf32, #tpu.memory_space<vmem_shared>> -> memref<640x128xf32, #tpu.memory_space<vmem_shared>>
      tpu.enqueue_dma source(%dma_start3A_31 : memref<640x128xf32, #tpu.memory_space<vmem_shared>>) target(%dma_start3A_29 : memref<640x128xf32, #tpu.memory_space<hbm>>) target_semaphore(%run_scoped3A_26 : memref<!tpu.dma_semaphore, #tpu.memory_space<semaphore_mem>>)
      %dma_wait3A_32 = arith.constant 0 : i32
      %dma_wait3A_33 = tpu.memref_slice %arg6[%arg0, %mul3A_25, %dma_wait3A_32] : memref<2x10240x128xf32, #tpu.memory_space<hbm>> -> memref<1x640x128xf32, #tpu.memory_space<hbm>>
      %dma_wait3A_34 = tpu.memref_squeeze %dma_wait3A_33 : memref<1x640x128xf32, #tpu.memory_space<hbm>> -> memref<640x128xf32, #tpu.memory_space<hbm>>
      %dma_wait3A_35 = arith.constant 0 : i32
      %dma_wait3A_36 = tpu.memref_slice %arg11[%mul3A_23, %dma_wait3A_35] : memref<10240x128xf32, #tpu.memory_space<vmem_shared>> -> memref<640x128xf32, #tpu.memory_space<vmem_shared>>
      tpu.wait_dma2 semaphore(%run_scoped3A_26 : memref<!tpu.dma_semaphore, #tpu.memory_space<semaphore_mem>>) src(%dma_wait3A_36 : memref<640x128xf32, #tpu.memory_space<vmem_shared>>) dst(%dma_wait3A_34 : memref<640x128xf32, #tpu.memory_space<hbm>>)
      tpu.yield
    }) : () -> ()
    return
  }
}

#map = affine_map<(d0, d1) -> (0, 0)>
#map1 = affine_map<(d0, d1) -> (0)>
#map2 = affine_map<(d0, d1) -> (0, 0, 0)>
module attributes {stable_mosaic.version = 14 : i64} {
  func.func @segsum(%arg0: i32, %arg1: i32, %arg2: memref<20000x128xf32, #tpu.memory_space<hbm>>, %arg3: memref<320000xi32, #tpu.memory_space<hbm>>, %arg4: memref<32x125x80xi32, #tpu.memory_space<hbm>>, %arg5: memref<10240x128xf32, #tpu.memory_space<hbm>>, %arg6: memref<2x10240x128xf32, #tpu.memory_space<hbm>>, %arg7: memref<10000xi32, #tpu.memory_space<vmem>>, %arg8: memref<125x80xi32, #tpu.memory_space<vmem>>, %arg9: memref<80x128xf32, #tpu.memory_space<vmem>>, %arg10: memref<80x128xf32, #tpu.memory_space<vmem>>, %arg11: memref<10240x128xf32, #tpu.memory_space<vmem_shared>>, %arg12: memref<!tpu.dma_semaphore, #tpu.memory_space<semaphore_mem>>, %arg13: memref<!tpu.dma_semaphore, #tpu.memory_space<semaphore_mem>>) attributes {dimension_semantics = [#tpu.dimension_semantics<core_parallel>, #tpu.dimension_semantics<subcore_parallel>], iteration_bounds = array<i64: 2, 16>, scalar_prefetch = 0 : i64, scratch_operands = 7 : i64, tpu.core_type = #tpu.core_type<sc_vector_subcore>, window_params = [{transform_indices = #map}, {transform_indices = #map1}, {transform_indices = #map2}, {transform_indices = #map}, {transform_indices = #map2}]} {
    %mul3A = arith.constant 16 : i32
    %mul3A_0 = arith.muli %arg0, %mul3A : i32
    %add3A = arith.addi %mul3A_0, %arg1 : i32
    %mul3A_1 = arith.constant 640 : i32
    %mul3A_2 = arith.muli %arg1, %mul3A_1 : i32
    %mul3A_3 = arith.constant 640 : i32
    %mul3A_4 = arith.muli %arg1, %mul3A_3 : i32
    "tpu.region"() ({
      %run_scoped3A_26 = tpu.sem_alloc : memref<!tpu.dma_semaphore, #tpu.memory_space<semaphore_mem>>
      %dma_start3A_27 = arith.constant 0 : i32
      %dma_start3A_28 = tpu.memref_slice %arg11[%mul3A_4, %dma_start3A_27] : memref<10240x128xf32, #tpu.memory_space<vmem_shared>> -> memref<640x128xf32, #tpu.memory_space<vmem_shared>>
      %dma_start3A_29 = arith.constant 0 : i32
      %dma_start3A_30 = tpu.memref_slice %arg5[%mul3A_2, %dma_start3A_29] : memref<10240x128xf32, #tpu.memory_space<hbm>> -> memref<640x128xf32, #tpu.memory_space<hbm>>
      tpu.enqueue_dma source(%dma_start3A_30 : memref<640x128xf32, #tpu.memory_space<hbm>>) target(%dma_start3A_28 : memref<640x128xf32, #tpu.memory_space<vmem_shared>>) target_semaphore(%run_scoped3A_26 : memref<!tpu.dma_semaphore, #tpu.memory_space<semaphore_mem>>)
      %dma_wait3A_31 = arith.constant 0 : i32
      %dma_wait3A_32 = tpu.memref_slice %arg11[%mul3A_4, %dma_wait3A_31] : memref<10240x128xf32, #tpu.memory_space<vmem_shared>> -> memref<640x128xf32, #tpu.memory_space<vmem_shared>>
      %dma_wait3A_33 = arith.constant 0 : i32
      %dma_wait3A_34 = tpu.memref_slice %arg5[%mul3A_2, %dma_wait3A_33] : memref<10240x128xf32, #tpu.memory_space<hbm>> -> memref<640x128xf32, #tpu.memory_space<hbm>>
      tpu.wait_dma2 semaphore(%run_scoped3A_26 : memref<!tpu.dma_semaphore, #tpu.memory_space<semaphore_mem>>) src(%dma_wait3A_34 : memref<640x128xf32, #tpu.memory_space<hbm>>) dst(%dma_wait3A_32 : memref<640x128xf32, #tpu.memory_space<vmem_shared>>)
      tpu.yield
    }) : () -> ()
    %mul3A_5 = arith.constant 10000 : i32
    %mul3A_6 = arith.muli %add3A, %mul3A_5 : i32
    "tpu.region"() ({
      %run_scoped3A_26 = tpu.sem_alloc : memref<!tpu.dma_semaphore, #tpu.memory_space<semaphore_mem>>
      %dma_start3A_27 = tpu.memref_slice %arg3[%mul3A_6] : memref<320000xi32, #tpu.memory_space<hbm>> -> memref<10000xi32, #tpu.memory_space<hbm>>
      %dma_start3A_28 = tpu.memref_slice %arg3[%mul3A_6] : memref<320000xi32, #tpu.memory_space<hbm>> -> memref<10000xi32, #tpu.memory_space<hbm>>
      tpu.enqueue_dma source(%dma_start3A_28 : memref<10000xi32, #tpu.memory_space<hbm>>) target(%arg7 : memref<10000xi32, #tpu.memory_space<vmem>>) target_semaphore(%run_scoped3A_26 : memref<!tpu.dma_semaphore, #tpu.memory_space<semaphore_mem>>)
      %dma_wait3A_29 = tpu.memref_slice %arg3[%mul3A_6] : memref<320000xi32, #tpu.memory_space<hbm>> -> memref<10000xi32, #tpu.memory_space<hbm>>
      %dma_wait3A_30 = tpu.memref_slice %arg3[%mul3A_6] : memref<320000xi32, #tpu.memory_space<hbm>> -> memref<10000xi32, #tpu.memory_space<hbm>>
      tpu.wait_dma2 semaphore(%run_scoped3A_26 : memref<!tpu.dma_semaphore, #tpu.memory_space<semaphore_mem>>) src(%dma_wait3A_30 : memref<10000xi32, #tpu.memory_space<hbm>>) dst(%arg7 : memref<10000xi32, #tpu.memory_space<vmem>>)
      tpu.yield
    }) : () -> ()
    "tpu.region"() ({
      %run_scoped3A_26 = tpu.sem_alloc : memref<!tpu.dma_semaphore, #tpu.memory_space<semaphore_mem>>
      %dma_start3A_27 = arith.constant 0 : i32
      %dma_start3A_28 = arith.constant 0 : i32
      %dma_start3A_29 = tpu.memref_slice %arg4[%add3A, %dma_start3A_27, %dma_start3A_28] : memref<32x125x80xi32, #tpu.memory_space<hbm>> -> memref<1x125x80xi32, #tpu.memory_space<hbm>>
      %dma_start3A_30 = tpu.memref_squeeze %dma_start3A_29 : memref<1x125x80xi32, #tpu.memory_space<hbm>> -> memref<125x80xi32, #tpu.memory_space<hbm>>
      %dma_start3A_31 = arith.constant 0 : i32
      %dma_start3A_32 = arith.constant 0 : i32
      %dma_start3A_33 = tpu.memref_slice %arg4[%add3A, %dma_start3A_31, %dma_start3A_32] : memref<32x125x80xi32, #tpu.memory_space<hbm>> -> memref<1x125x80xi32, #tpu.memory_space<hbm>>
      %dma_start3A_34 = tpu.memref_squeeze %dma_start3A_33 : memref<1x125x80xi32, #tpu.memory_space<hbm>> -> memref<125x80xi32, #tpu.memory_space<hbm>>
      tpu.enqueue_dma source(%dma_start3A_34 : memref<125x80xi32, #tpu.memory_space<hbm>>) target(%arg8 : memref<125x80xi32, #tpu.memory_space<vmem>>) target_semaphore(%run_scoped3A_26 : memref<!tpu.dma_semaphore, #tpu.memory_space<semaphore_mem>>)
      %dma_wait3A_35 = arith.constant 0 : i32
      %dma_wait3A_36 = arith.constant 0 : i32
      %dma_wait3A_37 = tpu.memref_slice %arg4[%add3A, %dma_wait3A_35, %dma_wait3A_36] : memref<32x125x80xi32, #tpu.memory_space<hbm>> -> memref<1x125x80xi32, #tpu.memory_space<hbm>>
      %dma_wait3A_38 = tpu.memref_squeeze %dma_wait3A_37 : memref<1x125x80xi32, #tpu.memory_space<hbm>> -> memref<125x80xi32, #tpu.memory_space<hbm>>
      %dma_wait3A_39 = arith.constant 0 : i32
      %dma_wait3A_40 = arith.constant 0 : i32
      %dma_wait3A_41 = tpu.memref_slice %arg4[%add3A, %dma_wait3A_39, %dma_wait3A_40] : memref<32x125x80xi32, #tpu.memory_space<hbm>> -> memref<1x125x80xi32, #tpu.memory_space<hbm>>
      %dma_wait3A_42 = tpu.memref_squeeze %dma_wait3A_41 : memref<1x125x80xi32, #tpu.memory_space<hbm>> -> memref<125x80xi32, #tpu.memory_space<hbm>>
      tpu.wait_dma2 semaphore(%run_scoped3A_26 : memref<!tpu.dma_semaphore, #tpu.memory_space<semaphore_mem>>) src(%dma_wait3A_42 : memref<125x80xi32, #tpu.memory_space<hbm>>) dst(%arg8 : memref<125x80xi32, #tpu.memory_space<vmem>>)
      tpu.yield
    }) : () -> ()
    %barrier3A = arith.constant 0 : index
    tpu.barrier barrier_id(%barrier3A)
    %dma_start3A = arith.constant 0 : i32
    %dma_start3A_7 = tpu.memref_slice %arg7[%dma_start3A] : memref<10000xi32, #tpu.memory_space<vmem>> -> memref<80xi32, #tpu.memory_space<vmem>>
    %dma_start3A_8 = arith.constant 0 : i32
    %dma_start3A_9 = arith.constant 0 : i32
    %dma_start3A_10 = tpu.memref_slice %arg2[%dma_start3A_8, %dma_start3A_9] : memref<20000x128xf32, #tpu.memory_space<hbm>> -> memref<20000x128xf32, #tpu.memory_space<hbm>>
    tpu.enqueue_indirect_dma source(%dma_start3A_10 : memref<20000x128xf32, #tpu.memory_space<hbm>>) target(%arg9 : memref<80x128xf32, #tpu.memory_space<vmem>>) offsets(%dma_start3A_7 : memref<80xi32, #tpu.memory_space<vmem>>) semaphore(%arg12 : memref<!tpu.dma_semaphore, #tpu.memory_space<semaphore_mem>>)
    %scan3A = arith.constant 0 : i32
    %scan3A_11 = arith.constant 0 : i32
    %scan3A_12 = arith.constant 62 : i32
    %scan3A_13 = arith.addi %scan3A_11, %scan3A_12 : i32
    %scan3A_14 = arith.constant 1 : i32
    %scan3A_15 = scf.for %scan3A_26 = %scan3A_11 to %scan3A_13 step %scan3A_14 iter_args(%scan3A_27 = %scan3A) -> (i32)  : i32 {
      %mul3A_28 = arith.constant 2 : i32
      %mul3A_29 = arith.muli %mul3A_28, %scan3A_26 : i32
      %add3A_30 = arith.constant 1 : i32
      %add3A_31 = arith.addi %mul3A_29, %add3A_30 : i32
      %mul3A_32 = arith.constant 80 : i32
      %mul3A_33 = arith.muli %add3A_31, %mul3A_32 : i32
      %dma_start3A_34 = tpu.memref_slice %arg7[%mul3A_33] : memref<10000xi32, #tpu.memory_space<vmem>> -> memref<80xi32, #tpu.memory_space<vmem>>
      %dma_start3A_35 = arith.constant 0 : i32
      %dma_start3A_36 = arith.constant 0 : i32
      %dma_start3A_37 = tpu.memref_slice %arg2[%dma_start3A_35, %dma_start3A_36] : memref<20000x128xf32, #tpu.memory_space<hbm>> -> memref<20000x128xf32, #tpu.memory_space<hbm>>
      tpu.enqueue_indirect_dma source(%dma_start3A_37 : memref<20000x128xf32, #tpu.memory_space<hbm>>) target(%arg10 : memref<80x128xf32, #tpu.memory_space<vmem>>) offsets(%dma_start3A_34 : memref<80xi32, #tpu.memory_space<vmem>>) semaphore(%arg13 : memref<!tpu.dma_semaphore, #tpu.memory_space<semaphore_mem>>)
      %dma_wait3A_38 = arith.constant 0 : i32
      %dma_wait3A_39 = tpu.memref_slice %arg7[%dma_wait3A_38] : memref<10000xi32, #tpu.memory_space<vmem>> -> memref<80xi32, #tpu.memory_space<vmem>>
      %dma_wait3A_40 = arith.constant 0 : i32
      %dma_wait3A_41 = arith.constant 0 : i32
      %dma_wait3A_42 = tpu.memref_slice %arg2[%dma_wait3A_40, %dma_wait3A_41] : memref<20000x128xf32, #tpu.memory_space<hbm>> -> memref<20000x128xf32, #tpu.memory_space<hbm>>
      tpu.wait_indirect_dma semaphore(%arg12 : memref<!tpu.dma_semaphore, #tpu.memory_space<semaphore_mem>>) src(%dma_wait3A_42 : memref<20000x128xf32, #tpu.memory_space<hbm>>) dst(%arg9 : memref<80x128xf32, #tpu.memory_space<vmem>>)
      "tpu.region"() ({
        %run_scoped3A_53 = tpu.sem_alloc : memref<!tpu.dma_semaphore, #tpu.memory_space<semaphore_mem>>
        %dma_start3A_54 = arith.constant 0 : i32
        %dma_start3A_55 = tpu.memref_slice %arg8[%mul3A_29, %dma_start3A_54] : memref<125x80xi32, #tpu.memory_space<vmem>> -> memref<1x80xi32, #tpu.memory_space<vmem>>
        %dma_start3A_56 = tpu.memref_squeeze %dma_start3A_55 : memref<1x80xi32, #tpu.memory_space<vmem>> -> memref<80xi32, #tpu.memory_space<vmem>>
        %dma_start3A_57 = arith.constant 0 : i32
        %dma_start3A_58 = arith.constant 0 : i32
        %dma_start3A_59 = tpu.memref_slice %arg11[%dma_start3A_57, %dma_start3A_58] : memref<10240x128xf32, #tpu.memory_space<vmem_shared>> -> memref<10240x128xf32, #tpu.memory_space<vmem_shared>>
        tpu.enqueue_indirect_dma source(%arg9 : memref<80x128xf32, #tpu.memory_space<vmem>>) target(%dma_start3A_59 : memref<10240x128xf32, #tpu.memory_space<vmem_shared>>) offsets(%dma_start3A_56 : memref<80xi32, #tpu.memory_space<vmem>>) semaphore(%run_scoped3A_53 : memref<!tpu.dma_semaphore, #tpu.memory_space<semaphore_mem>>) {add = true}
        %dma_wait3A_60 = arith.constant 0 : i32
        %dma_wait3A_61 = tpu.memref_slice %arg8[%mul3A_29, %dma_wait3A_60] : memref<125x80xi32, #tpu.memory_space<vmem>> -> memref<1x80xi32, #tpu.memory_space<vmem>>
        %dma_wait3A_62 = tpu.memref_squeeze %dma_wait3A_61 : memref<1x80xi32, #tpu.memory_space<vmem>> -> memref<80xi32, #tpu.memory_space<vmem>>
        %dma_wait3A_63 = arith.constant 0 : i32
        %dma_wait3A_64 = arith.constant 0 : i32
        %dma_wait3A_65 = tpu.memref_slice %arg11[%dma_wait3A_63, %dma_wait3A_64] : memref<10240x128xf32, #tpu.memory_space<vmem_shared>> -> memref<10240x128xf32, #tpu.memory_space<vmem_shared>>
        tpu.wait_indirect_dma semaphore(%run_scoped3A_53 : memref<!tpu.dma_semaphore, #tpu.memory_space<semaphore_mem>>) src(%arg9 : memref<80x128xf32, #tpu.memory_space<vmem>>) dst(%dma_wait3A_65 : memref<10240x128xf32, #tpu.memory_space<vmem_shared>>)
        tpu.yield
      }) : () -> ()
      %lt3A = arith.constant 62 : i32
      %lt3A_43 = arith.cmpi slt, %scan3A_26, %lt3A : i32
      %convert_element_type3A = arith.extui %lt3A_43 : i1 to i32
      %cond3A = arith.constant 0 : i32
      %cond3A_44 = arith.cmpi ne, %convert_element_type3A, %cond3A : i32
      scf.if %cond3A_44 {
        %add3A_53 = arith.constant 2 : i32
        %add3A_54 = arith.addi %mul3A_29, %add3A_53 : i32
        %mul3A_55 = arith.constant 80 : i32
        %mul3A_56 = arith.muli %add3A_54, %mul3A_55 : i32
        %dma_start3A_57 = tpu.memref_slice %arg7[%mul3A_56] : memref<10000xi32, #tpu.memory_space<vmem>> -> memref<80xi32, #tpu.memory_space<vmem>>
        %dma_start3A_58 = arith.constant 0 : i32
        %dma_start3A_59 = arith.constant 0 : i32
        %dma_start3A_60 = tpu.memref_slice %arg2[%dma_start3A_58, %dma_start3A_59] : memref<20000x128xf32, #tpu.memory_space<hbm>> -> memref<20000x128xf32, #tpu.memory_space<hbm>>
        tpu.enqueue_indirect_dma source(%dma_start3A_60 : memref<20000x128xf32, #tpu.memory_space<hbm>>) target(%arg9 : memref<80x128xf32, #tpu.memory_space<vmem>>) offsets(%dma_start3A_57 : memref<80xi32, #tpu.memory_space<vmem>>) semaphore(%arg12 : memref<!tpu.dma_semaphore, #tpu.memory_space<semaphore_mem>>)
      } else {
      }
      %dma_wait3A_45 = arith.constant 0 : i32
      %dma_wait3A_46 = tpu.memref_slice %arg7[%dma_wait3A_45] : memref<10000xi32, #tpu.memory_space<vmem>> -> memref<80xi32, #tpu.memory_space<vmem>>
      %dma_wait3A_47 = arith.constant 0 : i32
      %dma_wait3A_48 = arith.constant 0 : i32
      %dma_wait3A_49 = tpu.memref_slice %arg2[%dma_wait3A_47, %dma_wait3A_48] : memref<20000x128xf32, #tpu.memory_space<hbm>> -> memref<20000x128xf32, #tpu.memory_space<hbm>>
      tpu.wait_indirect_dma semaphore(%arg13 : memref<!tpu.dma_semaphore, #tpu.memory_space<semaphore_mem>>) src(%dma_wait3A_49 : memref<20000x128xf32, #tpu.memory_space<hbm>>) dst(%arg10 : memref<80x128xf32, #tpu.memory_space<vmem>>)
      %add3A_50 = arith.constant 1 : i32
      %add3A_51 = arith.addi %mul3A_29, %add3A_50 : i32
      "tpu.region"() ({
        %run_scoped3A_53 = tpu.sem_alloc : memref<!tpu.dma_semaphore, #tpu.memory_space<semaphore_mem>>
        %dma_start3A_54 = arith.constant 0 : i32
        %dma_start3A_55 = tpu.memref_slice %arg8[%add3A_51, %dma_start3A_54] : memref<125x80xi32, #tpu.memory_space<vmem>> -> memref<1x80xi32, #tpu.memory_space<vmem>>
        %dma_start3A_56 = tpu.memref_squeeze %dma_start3A_55 : memref<1x80xi32, #tpu.memory_space<vmem>> -> memref<80xi32, #tpu.memory_space<vmem>>
        %dma_start3A_57 = arith.constant 0 : i32
        %dma_start3A_58 = arith.constant 0 : i32
        %dma_start3A_59 = tpu.memref_slice %arg11[%dma_start3A_57, %dma_start3A_58] : memref<10240x128xf32, #tpu.memory_space<vmem_shared>> -> memref<10240x128xf32, #tpu.memory_space<vmem_shared>>
        tpu.enqueue_indirect_dma source(%arg10 : memref<80x128xf32, #tpu.memory_space<vmem>>) target(%dma_start3A_59 : memref<10240x128xf32, #tpu.memory_space<vmem_shared>>) offsets(%dma_start3A_56 : memref<80xi32, #tpu.memory_space<vmem>>) semaphore(%run_scoped3A_53 : memref<!tpu.dma_semaphore, #tpu.memory_space<semaphore_mem>>) {add = true}
        %dma_wait3A_60 = arith.constant 0 : i32
        %dma_wait3A_61 = tpu.memref_slice %arg8[%add3A_51, %dma_wait3A_60] : memref<125x80xi32, #tpu.memory_space<vmem>> -> memref<1x80xi32, #tpu.memory_space<vmem>>
        %dma_wait3A_62 = tpu.memref_squeeze %dma_wait3A_61 : memref<1x80xi32, #tpu.memory_space<vmem>> -> memref<80xi32, #tpu.memory_space<vmem>>
        %dma_wait3A_63 = arith.constant 0 : i32
        %dma_wait3A_64 = arith.constant 0 : i32
        %dma_wait3A_65 = tpu.memref_slice %arg11[%dma_wait3A_63, %dma_wait3A_64] : memref<10240x128xf32, #tpu.memory_space<vmem_shared>> -> memref<10240x128xf32, #tpu.memory_space<vmem_shared>>
        tpu.wait_indirect_dma semaphore(%run_scoped3A_53 : memref<!tpu.dma_semaphore, #tpu.memory_space<semaphore_mem>>) src(%arg10 : memref<80x128xf32, #tpu.memory_space<vmem>>) dst(%dma_wait3A_65 : memref<10240x128xf32, #tpu.memory_space<vmem_shared>>)
        tpu.yield
      }) : () -> ()
      %scan3A_52 = arith.constant 0 : i32
      scf.yield %scan3A_52 : i32
    }
    %scan3A_16 = arith.constant 62 : i32
    %dma_wait3A = arith.constant 0 : i32
    %dma_wait3A_17 = tpu.memref_slice %arg7[%dma_wait3A] : memref<10000xi32, #tpu.memory_space<vmem>> -> memref<80xi32, #tpu.memory_space<vmem>>
    %dma_wait3A_18 = arith.constant 0 : i32
    %dma_wait3A_19 = arith.constant 0 : i32
    %dma_wait3A_20 = tpu.memref_slice %arg2[%dma_wait3A_18, %dma_wait3A_19] : memref<20000x128xf32, #tpu.memory_space<hbm>> -> memref<20000x128xf32, #tpu.memory_space<hbm>>
    tpu.wait_indirect_dma semaphore(%arg12 : memref<!tpu.dma_semaphore, #tpu.memory_space<semaphore_mem>>) src(%dma_wait3A_20 : memref<20000x128xf32, #tpu.memory_space<hbm>>) dst(%arg9 : memref<80x128xf32, #tpu.memory_space<vmem>>)
    %run_scoped3A = arith.constant 124 : i32
    "tpu.region"() ({
      %run_scoped3A_26 = tpu.sem_alloc : memref<!tpu.dma_semaphore, #tpu.memory_space<semaphore_mem>>
      %dma_start3A_27 = arith.constant 0 : i32
      %dma_start3A_28 = tpu.memref_slice %arg8[%run_scoped3A, %dma_start3A_27] : memref<125x80xi32, #tpu.memory_space<vmem>> -> memref<1x80xi32, #tpu.memory_space<vmem>>
      %dma_start3A_29 = tpu.memref_squeeze %dma_start3A_28 : memref<1x80xi32, #tpu.memory_space<vmem>> -> memref<80xi32, #tpu.memory_space<vmem>>
      %dma_start3A_30 = arith.constant 0 : i32
      %dma_start3A_31 = arith.constant 0 : i32
      %dma_start3A_32 = tpu.memref_slice %arg11[%dma_start3A_30, %dma_start3A_31] : memref<10240x128xf32, #tpu.memory_space<vmem_shared>> -> memref<10240x128xf32, #tpu.memory_space<vmem_shared>>
      tpu.enqueue_indirect_dma source(%arg9 : memref<80x128xf32, #tpu.memory_space<vmem>>) target(%dma_start3A_32 : memref<10240x128xf32, #tpu.memory_space<vmem_shared>>) offsets(%dma_start3A_29 : memref<80xi32, #tpu.memory_space<vmem>>) semaphore(%run_scoped3A_26 : memref<!tpu.dma_semaphore, #tpu.memory_space<semaphore_mem>>) {add = true}
      %dma_wait3A_33 = arith.constant 0 : i32
      %dma_wait3A_34 = tpu.memref_slice %arg8[%run_scoped3A, %dma_wait3A_33] : memref<125x80xi32, #tpu.memory_space<vmem>> -> memref<1x80xi32, #tpu.memory_space<vmem>>
      %dma_wait3A_35 = tpu.memref_squeeze %dma_wait3A_34 : memref<1x80xi32, #tpu.memory_space<vmem>> -> memref<80xi32, #tpu.memory_space<vmem>>
      %dma_wait3A_36 = arith.constant 0 : i32
      %dma_wait3A_37 = arith.constant 0 : i32
      %dma_wait3A_38 = tpu.memref_slice %arg11[%dma_wait3A_36, %dma_wait3A_37] : memref<10240x128xf32, #tpu.memory_space<vmem_shared>> -> memref<10240x128xf32, #tpu.memory_space<vmem_shared>>
      tpu.wait_indirect_dma semaphore(%run_scoped3A_26 : memref<!tpu.dma_semaphore, #tpu.memory_space<semaphore_mem>>) src(%arg9 : memref<80x128xf32, #tpu.memory_space<vmem>>) dst(%dma_wait3A_38 : memref<10240x128xf32, #tpu.memory_space<vmem_shared>>)
      tpu.yield
    }) : () -> ()
    %barrier3A_21 = arith.constant 0 : index
    tpu.barrier barrier_id(%barrier3A_21)
    %mul3A_22 = arith.constant 640 : i32
    %mul3A_23 = arith.muli %arg1, %mul3A_22 : i32
    %mul3A_24 = arith.constant 640 : i32
    %mul3A_25 = arith.muli %arg1, %mul3A_24 : i32
    "tpu.region"() ({
      %run_scoped3A_26 = tpu.sem_alloc : memref<!tpu.dma_semaphore, #tpu.memory_space<semaphore_mem>>
      %dma_start3A_27 = arith.constant 0 : i32
      %dma_start3A_28 = tpu.memref_slice %arg6[%arg0, %mul3A_25, %dma_start3A_27] : memref<2x10240x128xf32, #tpu.memory_space<hbm>> -> memref<1x640x128xf32, #tpu.memory_space<hbm>>
      %dma_start3A_29 = tpu.memref_squeeze %dma_start3A_28 : memref<1x640x128xf32, #tpu.memory_space<hbm>> -> memref<640x128xf32, #tpu.memory_space<hbm>>
      %dma_start3A_30 = arith.constant 0 : i32
      %dma_start3A_31 = tpu.memref_slice %arg11[%mul3A_23, %dma_start3A_30] : memref<10240x128xf32, #tpu.memory_space<vmem_shared>> -> memref<640x128xf32, #tpu.memory_space<vmem_shared>>
      tpu.enqueue_dma source(%dma_start3A_31 : memref<640x128xf32, #tpu.memory_space<vmem_shared>>) target(%dma_start3A_29 : memref<640x128xf32, #tpu.memory_space<hbm>>) target_semaphore(%run_scoped3A_26 : memref<!tpu.dma_semaphore, #tpu.memory_space<semaphore_mem>>)
      %dma_wait3A_32 = arith.constant 0 : i32
      %dma_wait3A_33 = tpu.memref_slice %arg6[%arg0, %mul3A_25, %dma_wait3A_32] : memref<2x10240x128xf32, #tpu.memory_space<hbm>> -> memref<1x640x128xf32, #tpu.memory_space<hbm>>
      %dma_wait3A_34 = tpu.memref_squeeze %dma_wait3A_33 : memref<1x640x128xf32, #tpu.memory_space<hbm>> -> memref<640x128xf32, #tpu.memory_space<hbm>>
      %dma_wait3A_35 = arith.constant 0 : i32
      %dma_wait3A_36 = tpu.memref_slice %arg11[%mul3A_23, %dma_wait3A_35] : memref<10240x128xf32, #tpu.memory_space<vmem_shared>> -> memref<640x128xf32, #tpu.memory_space<vmem_shared>>
      tpu.wait_dma2 semaphore(%run_scoped3A_26 : memref<!tpu.dma_semaphore, #tpu.memory_space<semaphore_mem>>) src(%dma_wait3A_36 : memref<640x128xf32, #tpu.memory_space<vmem_shared>>) dst(%dma_wait3A_34 : memref<640x128xf32, #tpu.memory_space<hbm>>)
      tpu.yield
    }) : () -> ()
    return
  }
}

module attributes {stable_mosaic.version = 14 : i64} {
  func.func @body(%arg0: i32, %arg1: i32, %arg2: memref<1x1xf32, #tpu.memory_space<smem>>, %arg3: memref<2000x128xf32, #tpu.memory_space<vmem>>, %arg4: memref<2x2000x128xf32, #tpu.memory_space<vmem>>, %arg5: memref<128x256xf32, #tpu.memory_space<vmem>>, %arg6: memref<1x256xf32, #tpu.memory_space<vmem>>, %arg7: memref<1x256xf32, #tpu.memory_space<vmem>>, %arg8: memref<1x256xf32, #tpu.memory_space<vmem>>, %arg9: memref<256x256xf32, #tpu.memory_space<vmem>>, %arg10: memref<1x256xf32, #tpu.memory_space<vmem>>, %arg11: memref<1x256xf32, #tpu.memory_space<vmem>>, %arg12: memref<1x256xf32, #tpu.memory_space<vmem>>, %arg13: memref<1x256xf32, #tpu.memory_space<vmem>>, %arg14: memref<1x256xf32, #tpu.memory_space<vmem>>, %arg15: memref<2000x256xf32, #tpu.memory_space<vmem>>, %arg16: memref<2x2000x128xf32, #tpu.memory_space<vmem>>, %arg17: memref<10000x256xf32, #tpu.memory_space<vmem>>, %arg18: memref<3x2x256xf32, #tpu.memory_space<vmem>>) attributes {dimension_semantics = [#tpu.dimension_semantics<arbitrary>, #tpu.dimension_semantics<arbitrary>], iteration_bounds = array<i64: 4, 5>, scalar_prefetch = 0 : i64, scratch_operands = 2 : i64, tpu.core_type = #tpu.core_type<tc>, window_params = [{transform_indices = @transform_0, window_bounds = array<i64: 1, 1>}, {transform_indices = @transform_1, window_bounds = array<i64: 2000, 128>}, {transform_indices = @transform_2, window_bounds = array<i64: 2, 2000, 128>}, {pipeline_mode = #tpu.pipeline_mode<synchronous>, transform_indices = @transform_3, window_bounds = array<i64: 128, 256>}, {pipeline_mode = #tpu.pipeline_mode<synchronous>, transform_indices = @transform_4, window_bounds = array<i64: 1, 256>}, {pipeline_mode = #tpu.pipeline_mode<synchronous>, transform_indices = @transform_5, window_bounds = array<i64: 1, 256>}, {pipeline_mode = #tpu.pipeline_mode<synchronous>, transform_indices = @transform_6, window_bounds = array<i64: 1, 256>}, {pipeline_mode = #tpu.pipeline_mode<synchronous>, transform_indices = @transform_7, window_bounds = array<i64: 256, 256>}, {pipeline_mode = #tpu.pipeline_mode<synchronous>, transform_indices = @transform_8, window_bounds = array<i64: 1, 256>}, {pipeline_mode = #tpu.pipeline_mode<synchronous>, transform_indices = @transform_9, window_bounds = array<i64: 1, 256>}, {pipeline_mode = #tpu.pipeline_mode<synchronous>, transform_indices = @transform_10, window_bounds = array<i64: 1, 256>}, {pipeline_mode = #tpu.pipeline_mode<synchronous>, transform_indices = @transform_11, window_bounds = array<i64: 1, 256>}, {pipeline_mode = #tpu.pipeline_mode<synchronous>, transform_indices = @transform_12, window_bounds = array<i64: 1, 256>}, {transform_indices = @transform_13, window_bounds = array<i64: 2000, 256>}, {transform_indices = @transform_14, window_bounds = array<i64: 2, 2000, 128>}]} {
    %mul3A = arith.constant 2000 : i32
    %mul3A_0 = arith.muli %arg1, %mul3A : i32
    %eq3A = arith.constant 0 : i32
    %eq3A_1 = arith.cmpi eq, %arg0, %eq3A : i32
    %convert_element_type3A = arith.extui %eq3A_1 : i1 to i32
    %cond3A = arith.constant 0 : i32
    %cond3A_2 = arith.cmpi ne, %convert_element_type3A, %cond3A : i32
    scf.if %cond3A_2 {
      %get3A = arith.constant 0 : index
      %get3A_18 = arith.constant 0 : index
      %get3A_19 = arith.constant 0 : index
      %get3A_20 = vector.load %arg4[%get3A, %get3A_18, %get3A_19] : memref<2x2000x128xf32, #tpu.memory_space<vmem>>, vector<1x2000x128xf32>
      %get3A_21 = vector.shape_cast %get3A_20 : vector<1x2000x128xf32> to vector<2000x128xf32>
      %get3A_22 = arith.constant 1 : index
      %get3A_23 = arith.constant 0 : index
      %get3A_24 = arith.constant 0 : index
      %get3A_25 = vector.load %arg4[%get3A_22, %get3A_23, %get3A_24] : memref<2x2000x128xf32, #tpu.memory_space<vmem>>, vector<1x2000x128xf32>
      %get3A_26 = vector.shape_cast %get3A_25 : vector<1x2000x128xf32> to vector<2000x128xf32>
      %add3A = arith.addf %get3A_21, %get3A_26 : vector<2000x128xf32>
      %get3A_27 = arith.constant 0 : index
      %get3A_28 = arith.constant 0 : index
      %get3A_29 = memref.load %arg2[%get3A_27, %get3A_28] : memref<1x1xf32, #tpu.memory_space<smem>>
      %get3A_30 = arith.constant 0 : index
      %get3A_31 = arith.constant 0 : index
      %get3A_32 = vector.load %arg3[%get3A_30, %get3A_31] : memref<2000x128xf32, #tpu.memory_space<vmem>>, vector<2000x128xf32>
      %mul3A_33 = vector.broadcast %get3A_29 : f32 to vector<2000x128xf32>
      %mul3A_34 = arith.mulf %mul3A_33, %get3A_32 : vector<2000x128xf32>
      %add3A_35 = arith.addf %mul3A_34, %add3A : vector<2000x128xf32>
      %get3A_36 = arith.constant 0 : index
      %get3A_37 = arith.constant 0 : index
      %get3A_38 = vector.load %arg5[%get3A_36, %get3A_37] : memref<128x256xf32, #tpu.memory_space<vmem>>, vector<128x256xf32>
      %dot_general3A = arith.constant dense<0.000000e+00> : vector<2000x256xf32>
      %dot_general3A_39 = tpu.matmul %add3A_35, %get3A_38, %dot_general3A {dimension_numbers = #tpu.dot_dimension_numbers<[1], [0], [0], [1], [0, 0, 1, 1], [], []>, transpose_lhs_hint = false} : vector<2000x128xf32>, vector<128x256xf32>, vector<2000x256xf32> -> vector<2000x256xf32>
      %get3A_40 = arith.constant 0 : index
      %get3A_41 = arith.constant 0 : index
      %get3A_42 = vector.load %arg6[%get3A_40, %get3A_41] : memref<1x256xf32, #tpu.memory_space<vmem>>, vector<1x256xf32>
      %add3A_43 = vector.broadcast %get3A_42 : vector<1x256xf32> to vector<2000x256xf32>
      %add3A_44 = arith.addf %dot_general3A_39, %add3A_43 : vector<2000x256xf32>
      %swap3A = arith.index_cast %mul3A_0 : i32 to index
      %swap3A_45 = arith.constant 0 : index
      %swap3A_46 = vector.load %arg17[%swap3A, %swap3A_45] : memref<10000x256xf32, #tpu.memory_space<vmem>>, vector<2000x256xf32>
      tpu.vector_store %arg17[%swap3A, %swap3A_45], %add3A_44 {strides = array<i32>} : memref<10000x256xf32, #tpu.memory_space<vmem>>, vector<2000x256xf32>,
      %eq3A_47 = arith.constant 0 : i32
      %eq3A_48 = arith.cmpi eq, %arg1, %eq3A_47 : i32
      %convert_element_type3A_49 = arith.extui %eq3A_48 : i1 to i32
      %cond3A_50 = arith.constant 0 : i32
      %cond3A_51 = arith.cmpi ne, %convert_element_type3A_49, %cond3A_50 : i32
      scf.if %cond3A_51 {
        %broadcast_in_dim3A = arith.constant 0.000000e+00 : f32
        %broadcast_in_dim3A_70 = vector.broadcast %broadcast_in_dim3A : f32 to vector<2x256xf32>
        %swap3A_71 = arith.constant 0 : index
        %swap3A_72 = arith.constant 0 : index
        %swap3A_73 = arith.constant 0 : index
        %swap3A_74 = vector.load %arg18[%swap3A_71, %swap3A_72, %swap3A_73] : memref<3x2x256xf32, #tpu.memory_space<vmem>>, vector<1x2x256xf32>
        %swap3A_75 = vector.shape_cast %swap3A_74 : vector<1x2x256xf32> to vector<2x256xf32>
        %swap3A_76 = vector.shape_cast %broadcast_in_dim3A_70 : vector<2x256xf32> to vector<1x2x256xf32>
        tpu.vector_store %arg18[%swap3A_71, %swap3A_72, %swap3A_73], %swap3A_76 {strides = array<i32>} : memref<3x2x256xf32, #tpu.memory_space<vmem>>, vector<1x2x256xf32>,
      } else {
      }
      %get3A_52 = arith.constant 0 : index
      %get3A_53 = arith.constant 0 : index
      %get3A_54 = arith.constant 0 : index
      %get3A_55 = vector.load %arg18[%get3A_52, %get3A_53, %get3A_54] : memref<3x2x256xf32, #tpu.memory_space<vmem>>, vector<1x2x256xf32>
      %get3A_56 = vector.shape_cast %get3A_55 : vector<1x2x256xf32> to vector<2x256xf32>
      %reduce_sum3A = arith.constant dense<0.000000e+00> : vector<256xf32>
      %reduce_sum3A_57 = vector.multi_reduction <add>, %add3A_44, %reduce_sum3A [0] : vector<2000x256xf32> to vector<256xf32>
      %mul3A_58 = arith.mulf %add3A_44, %add3A_44 : vector<2000x256xf32>
      %reduce_sum3A_59 = arith.constant dense<0.000000e+00> : vector<256xf32>
      %reduce_sum3A_60 = vector.multi_reduction <add>, %mul3A_58, %reduce_sum3A_59 [0] : vector<2000x256xf32> to vector<256xf32>
      %stack3A = vector.shape_cast %reduce_sum3A_57 : vector<256xf32> to vector<1x256xf32>
      %stack3A_61 = vector.shape_cast %reduce_sum3A_60 : vector<256xf32> to vector<1x256xf32>
      %stack3A_62 = tpu.concatenate %stack3A, %stack3A_61 in 0 : vector<1x256xf32>, vector<1x256xf32> -> vector<2x256xf32>
      %add3A_63 = arith.addf %get3A_56, %stack3A_62 : vector<2x256xf32>
      %swap3A_64 = arith.constant 0 : index
      %swap3A_65 = arith.constant 0 : index
      %swap3A_66 = arith.constant 0 : index
      %swap3A_67 = vector.load %arg18[%swap3A_64, %swap3A_65, %swap3A_66] : memref<3x2x256xf32, #tpu.memory_space<vmem>>, vector<1x2x256xf32>
      %swap3A_68 = vector.shape_cast %swap3A_67 : vector<1x2x256xf32> to vector<2x256xf32>
      %swap3A_69 = vector.shape_cast %add3A_63 : vector<2x256xf32> to vector<1x2x256xf32>
      tpu.vector_store %arg18[%swap3A_64, %swap3A_65, %swap3A_66], %swap3A_69 {strides = array<i32>} : memref<3x2x256xf32, #tpu.memory_space<vmem>>, vector<1x2x256xf32>,
    } else {
    }
    %eq3A_3 = arith.constant 1 : i32
    %eq3A_4 = arith.cmpi eq, %arg0, %eq3A_3 : i32
    %convert_element_type3A_5 = arith.extui %eq3A_4 : i1 to i32
    %cond3A_6 = arith.constant 0 : i32
    %cond3A_7 = arith.cmpi ne, %convert_element_type3A_5, %cond3A_6 : i32
    scf.if %cond3A_7 {
      %get3A = arith.constant 0 : index
      %get3A_18 = arith.constant 0 : index
      %get3A_19 = vector.load %arg7[%get3A, %get3A_18] : memref<1x256xf32, #tpu.memory_space<vmem>>, vector<1x256xf32>
      %get3A_20 = arith.constant 0 : index
      %get3A_21 = arith.constant 0 : index
      %get3A_22 = vector.load %arg8[%get3A_20, %get3A_21] : memref<1x256xf32, #tpu.memory_space<vmem>>, vector<1x256xf32>
      %get3A_23 = arith.constant 0 : index
      %get3A_24 = arith.constant 0 : index
      %get3A_25 = arith.constant 0 : index
      %get3A_26 = vector.load %arg18[%get3A_23, %get3A_24, %get3A_25] : memref<3x2x256xf32, #tpu.memory_space<vmem>>, vector<1x2x256xf32>
      %get3A_27 = vector.shape_cast %get3A_26 : vector<1x2x256xf32> to vector<2x256xf32>
      %slice3A = vector.extract_strided_slice %get3A_27 {offsets = [0, 0], sizes = [1, 256], strides = [1, 1]} : vector<2x256xf32> to vector<1x256xf32>
      %mul3A_28 = arith.constant 9.99999974E-5 : f32
      %mul3A_29 = vector.broadcast %mul3A_28 : f32 to vector<1x256xf32>
      %mul3A_30 = arith.mulf %slice3A, %mul3A_29 : vector<1x256xf32>
      %slice3A_31 = vector.extract_strided_slice %get3A_27 {offsets = [1, 0], sizes = [1, 256], strides = [1, 1]} : vector<2x256xf32> to vector<1x256xf32>
      %mul3A_32 = arith.constant 9.99999974E-5 : f32
      %mul3A_33 = vector.broadcast %mul3A_32 : f32 to vector<1x256xf32>
      %mul3A_34 = arith.mulf %slice3A_31, %mul3A_33 : vector<1x256xf32>
      %mul3A_35 = arith.mulf %mul3A_30, %mul3A_30 : vector<1x256xf32>
      %sub3A = arith.subf %mul3A_34, %mul3A_35 : vector<1x256xf32>
      %add3A = arith.constant 9.99999974E-6 : f32
      %add3A_36 = vector.broadcast %add3A : f32 to vector<1x256xf32>
      %add3A_37 = arith.addf %sub3A, %add3A_36 : vector<1x256xf32>
      %rsqrt3A = math.rsqrt %add3A_37 : vector<1x256xf32>
      %mul3A_38 = arith.mulf %rsqrt3A, %get3A_19 : vector<1x256xf32>
      %mul3A_39 = arith.mulf %mul3A_30, %rsqrt3A : vector<1x256xf32>
      %mul3A_40 = arith.mulf %mul3A_39, %get3A_19 : vector<1x256xf32>
      %sub3A_41 = arith.subf %get3A_22, %mul3A_40 : vector<1x256xf32>
      %get3A_42 = arith.index_cast %mul3A_0 : i32 to index
      %get3A_43 = arith.constant 0 : index
      %get3A_44 = vector.load %arg17[%get3A_42, %get3A_43] : memref<10000x256xf32, #tpu.memory_space<vmem>>, vector<2000x256xf32>
      %mul3A_45 = vector.broadcast %mul3A_38 : vector<1x256xf32> to vector<2000x256xf32>
      %mul3A_46 = arith.mulf %get3A_44, %mul3A_45 : vector<2000x256xf32>
      %add3A_47 = vector.broadcast %sub3A_41 : vector<1x256xf32> to vector<2000x256xf32>
      %add3A_48 = arith.addf %mul3A_46, %add3A_47 : vector<2000x256xf32>
      %max3A = arith.constant 0.000000e+00 : f32
      %max3A_49 = vector.broadcast %max3A : f32 to vector<2000x256xf32>
      %max3A_50 = arith.maximumf %add3A_48, %max3A_49 : vector<2000x256xf32>
      %get3A_51 = arith.constant 0 : index
      %get3A_52 = arith.constant 0 : index
      %get3A_53 = vector.load %arg9[%get3A_51, %get3A_52] : memref<256x256xf32, #tpu.memory_space<vmem>>, vector<256x256xf32>
      %dot_general3A = arith.constant dense<0.000000e+00> : vector<2000x256xf32>
      %dot_general3A_54 = tpu.matmul %max3A_50, %get3A_53, %dot_general3A {dimension_numbers = #tpu.dot_dimension_numbers<[1], [0], [0], [1], [0, 0, 1, 1], [], []>, transpose_lhs_hint = false} : vector<2000x256xf32>, vector<256x256xf32>, vector<2000x256xf32> -> vector<2000x256xf32>
      %get3A_55 = arith.constant 0 : index
      %get3A_56 = arith.constant 0 : index
      %get3A_57 = vector.load %arg10[%get3A_55, %get3A_56] : memref<1x256xf32, #tpu.memory_space<vmem>>, vector<1x256xf32>
      %add3A_58 = vector.broadcast %get3A_57 : vector<1x256xf32> to vector<2000x256xf32>
      %add3A_59 = arith.addf %dot_general3A_54, %add3A_58 : vector<2000x256xf32>
      %swap3A = arith.index_cast %mul3A_0 : i32 to index
      %swap3A_60 = arith.constant 0 : index
      %swap3A_61 = vector.load %arg17[%swap3A, %swap3A_60] : memref<10000x256xf32, #tpu.memory_space<vmem>>, vector<2000x256xf32>
      tpu.vector_store %arg17[%swap3A, %swap3A_60], %add3A_59 {strides = array<i32>} : memref<10000x256xf32, #tpu.memory_space<vmem>>, vector<2000x256xf32>,
      %eq3A_62 = arith.constant 0 : i32
      %eq3A_63 = arith.cmpi eq, %arg1, %eq3A_62 : i32
      %convert_element_type3A_64 = arith.extui %eq3A_63 : i1 to i32
      %cond3A_65 = arith.constant 0 : i32
      %cond3A_66 = arith.cmpi ne, %convert_element_type3A_64, %cond3A_65 : i32
      scf.if %cond3A_66 {
        %broadcast_in_dim3A = arith.constant 0.000000e+00 : f32
        %broadcast_in_dim3A_85 = vector.broadcast %broadcast_in_dim3A : f32 to vector<2x256xf32>
        %swap3A_86 = arith.constant 1 : index
        %swap3A_87 = arith.constant 0 : index
        %swap3A_88 = arith.constant 0 : index
        %swap3A_89 = vector.load %arg18[%swap3A_86, %swap3A_87, %swap3A_88] : memref<3x2x256xf32, #tpu.memory_space<vmem>>, vector<1x2x256xf32>
        %swap3A_90 = vector.shape_cast %swap3A_89 : vector<1x2x256xf32> to vector<2x256xf32>
        %swap3A_91 = vector.shape_cast %broadcast_in_dim3A_85 : vector<2x256xf32> to vector<1x2x256xf32>
        tpu.vector_store %arg18[%swap3A_86, %swap3A_87, %swap3A_88], %swap3A_91 {strides = array<i32>} : memref<3x2x256xf32, #tpu.memory_space<vmem>>, vector<1x2x256xf32>,
      } else {
      }
      %get3A_67 = arith.constant 1 : index
      %get3A_68 = arith.constant 0 : index
      %get3A_69 = arith.constant 0 : index
      %get3A_70 = vector.load %arg18[%get3A_67, %get3A_68, %get3A_69] : memref<3x2x256xf32, #tpu.memory_space<vmem>>, vector<1x2x256xf32>
      %get3A_71 = vector.shape_cast %get3A_70 : vector<1x2x256xf32> to vector<2x256xf32>
      %reduce_sum3A = arith.constant dense<0.000000e+00> : vector<256xf32>
      %reduce_sum3A_72 = vector.multi_reduction <add>, %add3A_59, %reduce_sum3A [0] : vector<2000x256xf32> to vector<256xf32>
      %mul3A_73 = arith.mulf %add3A_59, %add3A_59 : vector<2000x256xf32>
      %reduce_sum3A_74 = arith.constant dense<0.000000e+00> : vector<256xf32>
      %reduce_sum3A_75 = vector.multi_reduction <add>, %mul3A_73, %reduce_sum3A_74 [0] : vector<2000x256xf32> to vector<256xf32>
      %stack3A = vector.shape_cast %reduce_sum3A_72 : vector<256xf32> to vector<1x256xf32>
      %stack3A_76 = vector.shape_cast %reduce_sum3A_75 : vector<256xf32> to vector<1x256xf32>
      %stack3A_77 = tpu.concatenate %stack3A, %stack3A_76 in 0 : vector<1x256xf32>, vector<1x256xf32> -> vector<2x256xf32>
      %add3A_78 = arith.addf %get3A_71, %stack3A_77 : vector<2x256xf32>
      %swap3A_79 = arith.constant 1 : index
      %swap3A_80 = arith.constant 0 : index
      %swap3A_81 = arith.constant 0 : index
      %swap3A_82 = vector.load %arg18[%swap3A_79, %swap3A_80, %swap3A_81] : memref<3x2x256xf32, #tpu.memory_space<vmem>>, vector<1x2x256xf32>
      %swap3A_83 = vector.shape_cast %swap3A_82 : vector<1x2x256xf32> to vector<2x256xf32>
      %swap3A_84 = vector.shape_cast %add3A_78 : vector<2x256xf32> to vector<1x2x256xf32>
      tpu.vector_store %arg18[%swap3A_79, %swap3A_80, %swap3A_81], %swap3A_84 {strides = array<i32>} : memref<3x2x256xf32, #tpu.memory_space<vmem>>, vector<1x2x256xf32>,
    } else {
    }
    %eq3A_8 = arith.constant 2 : i32
    %eq3A_9 = arith.cmpi eq, %arg0, %eq3A_8 : i32
    %convert_element_type3A_10 = arith.extui %eq3A_9 : i1 to i32
    %cond3A_11 = arith.constant 0 : i32
    %cond3A_12 = arith.cmpi ne, %convert_element_type3A_10, %cond3A_11 : i32
    scf.if %cond3A_12 {
      %get3A = arith.constant 0 : index
      %get3A_18 = arith.constant 0 : index
      %get3A_19 = vector.load %arg11[%get3A, %get3A_18] : memref<1x256xf32, #tpu.memory_space<vmem>>, vector<1x256xf32>
      %get3A_20 = arith.constant 0 : index
      %get3A_21 = arith.constant 0 : index
      %get3A_22 = vector.load %arg12[%get3A_20, %get3A_21] : memref<1x256xf32, #tpu.memory_space<vmem>>, vector<1x256xf32>
      %get3A_23 = arith.constant 1 : index
      %get3A_24 = arith.constant 0 : index
      %get3A_25 = arith.constant 0 : index
      %get3A_26 = vector.load %arg18[%get3A_23, %get3A_24, %get3A_25] : memref<3x2x256xf32, #tpu.memory_space<vmem>>, vector<1x2x256xf32>
      %get3A_27 = vector.shape_cast %get3A_26 : vector<1x2x256xf32> to vector<2x256xf32>
      %slice3A = vector.extract_strided_slice %get3A_27 {offsets = [0, 0], sizes = [1, 256], strides = [1, 1]} : vector<2x256xf32> to vector<1x256xf32>
      %mul3A_28 = arith.constant 9.99999974E-5 : f32
      %mul3A_29 = vector.broadcast %mul3A_28 : f32 to vector<1x256xf32>
      %mul3A_30 = arith.mulf %slice3A, %mul3A_29 : vector<1x256xf32>
      %slice3A_31 = vector.extract_strided_slice %get3A_27 {offsets = [1, 0], sizes = [1, 256], strides = [1, 1]} : vector<2x256xf32> to vector<1x256xf32>
      %mul3A_32 = arith.constant 9.99999974E-5 : f32
      %mul3A_33 = vector.broadcast %mul3A_32 : f32 to vector<1x256xf32>
      %mul3A_34 = arith.mulf %slice3A_31, %mul3A_33 : vector<1x256xf32>
      %mul3A_35 = arith.mulf %mul3A_30, %mul3A_30 : vector<1x256xf32>
      %sub3A = arith.subf %mul3A_34, %mul3A_35 : vector<1x256xf32>
      %add3A = arith.constant 9.99999974E-6 : f32
      %add3A_36 = vector.broadcast %add3A : f32 to vector<1x256xf32>
      %add3A_37 = arith.addf %sub3A, %add3A_36 : vector<1x256xf32>
      %rsqrt3A = math.rsqrt %add3A_37 : vector<1x256xf32>
      %mul3A_38 = arith.mulf %rsqrt3A, %get3A_19 : vector<1x256xf32>
      %mul3A_39 = arith.mulf %mul3A_30, %rsqrt3A : vector<1x256xf32>
      %mul3A_40 = arith.mulf %mul3A_39, %get3A_19 : vector<1x256xf32>
      %sub3A_41 = arith.subf %get3A_22, %mul3A_40 : vector<1x256xf32>
      %get3A_42 = arith.index_cast %mul3A_0 : i32 to index
      %get3A_43 = arith.constant 0 : index
      %get3A_44 = vector.load %arg17[%get3A_42, %get3A_43] : memref<10000x256xf32, #tpu.memory_space<vmem>>, vector<2000x256xf32>
      %mul3A_45 = vector.broadcast %mul3A_38 : vector<1x256xf32> to vector<2000x256xf32>
      %mul3A_46 = arith.mulf %get3A_44, %mul3A_45 : vector<2000x256xf32>
      %add3A_47 = vector.broadcast %sub3A_41 : vector<1x256xf32> to vector<2000x256xf32>
      %add3A_48 = arith.addf %mul3A_46, %add3A_47 : vector<2000x256xf32>
      %max3A = arith.constant 0.000000e+00 : f32
      %max3A_49 = vector.broadcast %max3A : f32 to vector<2000x256xf32>
      %max3A_50 = arith.maximumf %add3A_48, %max3A_49 : vector<2000x256xf32>
      %swap3A = arith.index_cast %mul3A_0 : i32 to index
      %swap3A_51 = arith.constant 0 : index
      %swap3A_52 = vector.load %arg17[%swap3A, %swap3A_51] : memref<10000x256xf32, #tpu.memory_space<vmem>>, vector<2000x256xf32>
      tpu.vector_store %arg17[%swap3A, %swap3A_51], %max3A_50 {strides = array<i32>} : memref<10000x256xf32, #tpu.memory_space<vmem>>, vector<2000x256xf32>,
      %eq3A_53 = arith.constant 0 : i32
      %eq3A_54 = arith.cmpi eq, %arg1, %eq3A_53 : i32
      %convert_element_type3A_55 = arith.extui %eq3A_54 : i1 to i32
      %cond3A_56 = arith.constant 0 : i32
      %cond3A_57 = arith.cmpi ne, %convert_element_type3A_55, %cond3A_56 : i32
      scf.if %cond3A_57 {
        %broadcast_in_dim3A = arith.constant 0.000000e+00 : f32
        %broadcast_in_dim3A_76 = vector.broadcast %broadcast_in_dim3A : f32 to vector<2x256xf32>
        %swap3A_77 = arith.constant 2 : index
        %swap3A_78 = arith.constant 0 : index
        %swap3A_79 = arith.constant 0 : index
        %swap3A_80 = vector.load %arg18[%swap3A_77, %swap3A_78, %swap3A_79] : memref<3x2x256xf32, #tpu.memory_space<vmem>>, vector<1x2x256xf32>
        %swap3A_81 = vector.shape_cast %swap3A_80 : vector<1x2x256xf32> to vector<2x256xf32>
        %swap3A_82 = vector.shape_cast %broadcast_in_dim3A_76 : vector<2x256xf32> to vector<1x2x256xf32>
        tpu.vector_store %arg18[%swap3A_77, %swap3A_78, %swap3A_79], %swap3A_82 {strides = array<i32>} : memref<3x2x256xf32, #tpu.memory_space<vmem>>, vector<1x2x256xf32>,
      } else {
      }
      %get3A_58 = arith.constant 2 : index
      %get3A_59 = arith.constant 0 : index
      %get3A_60 = arith.constant 0 : index
      %get3A_61 = vector.load %arg18[%get3A_58, %get3A_59, %get3A_60] : memref<3x2x256xf32, #tpu.memory_space<vmem>>, vector<1x2x256xf32>
      %get3A_62 = vector.shape_cast %get3A_61 : vector<1x2x256xf32> to vector<2x256xf32>
      %reduce_sum3A = arith.constant dense<0.000000e+00> : vector<256xf32>
      %reduce_sum3A_63 = vector.multi_reduction <add>, %max3A_50, %reduce_sum3A [0] : vector<2000x256xf32> to vector<256xf32>
      %mul3A_64 = arith.mulf %max3A_50, %max3A_50 : vector<2000x256xf32>
      %reduce_sum3A_65 = arith.constant dense<0.000000e+00> : vector<256xf32>
      %reduce_sum3A_66 = vector.multi_reduction <add>, %mul3A_64, %reduce_sum3A_65 [0] : vector<2000x256xf32> to vector<256xf32>
      %stack3A = vector.shape_cast %reduce_sum3A_63 : vector<256xf32> to vector<1x256xf32>
      %stack3A_67 = vector.shape_cast %reduce_sum3A_66 : vector<256xf32> to vector<1x256xf32>
      %stack3A_68 = tpu.concatenate %stack3A, %stack3A_67 in 0 : vector<1x256xf32>, vector<1x256xf32> -> vector<2x256xf32>
      %add3A_69 = arith.addf %get3A_62, %stack3A_68 : vector<2x256xf32>
      %swap3A_70 = arith.constant 2 : index
      %swap3A_71 = arith.constant 0 : index
      %swap3A_72 = arith.constant 0 : index
      %swap3A_73 = vector.load %arg18[%swap3A_70, %swap3A_71, %swap3A_72] : memref<3x2x256xf32, #tpu.memory_space<vmem>>, vector<1x2x256xf32>
      %swap3A_74 = vector.shape_cast %swap3A_73 : vector<1x2x256xf32> to vector<2x256xf32>
      %swap3A_75 = vector.shape_cast %add3A_69 : vector<2x256xf32> to vector<1x2x256xf32>
      tpu.vector_store %arg18[%swap3A_70, %swap3A_71, %swap3A_72], %swap3A_75 {strides = array<i32>} : memref<3x2x256xf32, #tpu.memory_space<vmem>>, vector<1x2x256xf32>,
    } else {
    }
    %eq3A_13 = arith.constant 3 : i32
    %eq3A_14 = arith.cmpi eq, %arg0, %eq3A_13 : i32
    %convert_element_type3A_15 = arith.extui %eq3A_14 : i1 to i32
    %cond3A_16 = arith.constant 0 : i32
    %cond3A_17 = arith.cmpi ne, %convert_element_type3A_15, %cond3A_16 : i32
    scf.if %cond3A_17 {
      %get3A = arith.constant 0 : index
      %get3A_18 = arith.constant 0 : index
      %get3A_19 = vector.load %arg13[%get3A, %get3A_18] : memref<1x256xf32, #tpu.memory_space<vmem>>, vector<1x256xf32>
      %get3A_20 = arith.constant 0 : index
      %get3A_21 = arith.constant 0 : index
      %get3A_22 = vector.load %arg14[%get3A_20, %get3A_21] : memref<1x256xf32, #tpu.memory_space<vmem>>, vector<1x256xf32>
      %get3A_23 = arith.constant 2 : index
      %get3A_24 = arith.constant 0 : index
      %get3A_25 = arith.constant 0 : index
      %get3A_26 = vector.load %arg18[%get3A_23, %get3A_24, %get3A_25] : memref<3x2x256xf32, #tpu.memory_space<vmem>>, vector<1x2x256xf32>
      %get3A_27 = vector.shape_cast %get3A_26 : vector<1x2x256xf32> to vector<2x256xf32>
      %slice3A = vector.extract_strided_slice %get3A_27 {offsets = [0, 0], sizes = [1, 256], strides = [1, 1]} : vector<2x256xf32> to vector<1x256xf32>
      %mul3A_28 = arith.constant 9.99999974E-5 : f32
      %mul3A_29 = vector.broadcast %mul3A_28 : f32 to vector<1x256xf32>
      %mul3A_30 = arith.mulf %slice3A, %mul3A_29 : vector<1x256xf32>
      %slice3A_31 = vector.extract_strided_slice %get3A_27 {offsets = [1, 0], sizes = [1, 256], strides = [1, 1]} : vector<2x256xf32> to vector<1x256xf32>
      %mul3A_32 = arith.constant 9.99999974E-5 : f32
      %mul3A_33 = vector.broadcast %mul3A_32 : f32 to vector<1x256xf32>
      %mul3A_34 = arith.mulf %slice3A_31, %mul3A_33 : vector<1x256xf32>
      %mul3A_35 = arith.mulf %mul3A_30, %mul3A_30 : vector<1x256xf32>
      %sub3A = arith.subf %mul3A_34, %mul3A_35 : vector<1x256xf32>
      %add3A = arith.constant 9.99999974E-6 : f32
      %add3A_36 = vector.broadcast %add3A : f32 to vector<1x256xf32>
      %add3A_37 = arith.addf %sub3A, %add3A_36 : vector<1x256xf32>
      %rsqrt3A = math.rsqrt %add3A_37 : vector<1x256xf32>
      %mul3A_38 = arith.mulf %rsqrt3A, %get3A_19 : vector<1x256xf32>
      %mul3A_39 = arith.mulf %mul3A_30, %rsqrt3A : vector<1x256xf32>
      %mul3A_40 = arith.mulf %mul3A_39, %get3A_19 : vector<1x256xf32>
      %sub3A_41 = arith.subf %get3A_22, %mul3A_40 : vector<1x256xf32>
      %get3A_42 = arith.index_cast %mul3A_0 : i32 to index
      %get3A_43 = arith.constant 0 : index
      %get3A_44 = vector.load %arg17[%get3A_42, %get3A_43] : memref<10000x256xf32, #tpu.memory_space<vmem>>, vector<2000x256xf32>
      %mul3A_45 = vector.broadcast %mul3A_38 : vector<1x256xf32> to vector<2000x256xf32>
      %mul3A_46 = arith.mulf %get3A_44, %mul3A_45 : vector<2000x256xf32>
      %add3A_47 = vector.broadcast %sub3A_41 : vector<1x256xf32> to vector<2000x256xf32>
      %add3A_48 = arith.addf %mul3A_46, %add3A_47 : vector<2000x256xf32>
      %max3A = arith.constant 0.000000e+00 : f32
      %max3A_49 = vector.broadcast %max3A : f32 to vector<2000x256xf32>
      %max3A_50 = arith.maximumf %add3A_48, %max3A_49 : vector<2000x256xf32>
      %swap3A = arith.constant 0 : index
      %swap3A_51 = arith.constant 0 : index
      %swap3A_52 = vector.load %arg15[%swap3A, %swap3A_51] : memref<2000x256xf32, #tpu.memory_space<vmem>>, vector<2000x256xf32>
      tpu.vector_store %arg15[%swap3A, %swap3A_51], %max3A_50 {strides = array<i32>} : memref<2000x256xf32, #tpu.memory_space<vmem>>, vector<2000x256xf32>,
      %slice3A_53 = vector.extract_strided_slice %max3A_50 {offsets = [0, 0], sizes = [2000, 128], strides = [1, 1]} : vector<2000x256xf32> to vector<2000x128xf32>
      %swap3A_54 = arith.constant 0 : index
      %swap3A_55 = arith.constant 0 : index
      %swap3A_56 = arith.constant 0 : index
      %swap3A_57 = vector.load %arg16[%swap3A_54, %swap3A_55, %swap3A_56] : memref<2x2000x128xf32, #tpu.memory_space<vmem>>, vector<1x2000x128xf32>
      %swap3A_58 = vector.shape_cast %swap3A_57 : vector<1x2000x128xf32> to vector<2000x128xf32>
      %swap3A_59 = vector.shape_cast %slice3A_53 : vector<2000x128xf32> to vector<1x2000x128xf32>
      tpu.vector_store %arg16[%swap3A_54, %swap3A_55, %swap3A_56], %swap3A_59 {strides = array<i32>} : memref<2x2000x128xf32, #tpu.memory_space<vmem>>, vector<1x2000x128xf32>,
      %slice3A_60 = vector.extract_strided_slice %max3A_50 {offsets = [0, 128], sizes = [2000, 128], strides = [1, 1]} : vector<2000x256xf32> to vector<2000x128xf32>
      %swap3A_61 = arith.constant 1 : index
      %swap3A_62 = arith.constant 0 : index
      %swap3A_63 = arith.constant 0 : index
      %swap3A_64 = vector.load %arg16[%swap3A_61, %swap3A_62, %swap3A_63] : memref<2x2000x128xf32, #tpu.memory_space<vmem>>, vector<1x2000x128xf32>
      %swap3A_65 = vector.shape_cast %swap3A_64 : vector<1x2000x128xf32> to vector<2000x128xf32>
      %swap3A_66 = vector.shape_cast %slice3A_60 : vector<2000x128xf32> to vector<1x2000x128xf32>
      tpu.vector_store %arg16[%swap3A_61, %swap3A_62, %swap3A_63], %swap3A_66 {strides = array<i32>} : memref<2x2000x128xf32, #tpu.memory_space<vmem>>, vector<1x2000x128xf32>,
    } else {
    }
    return
  }
  func.func @transform_0(%arg0: i32, %arg1: i32) -> (i32, i32) {
    %c0_i32 = arith.constant 0 : i32
    %c0_i32_0 = arith.constant 0 : i32
    %c0_i32_1 = arith.constant 0 : i32
    return %c0_i32, %c0_i32_0 : i32, i32
  }
  func.func @transform_1(%arg0: i32, %arg1: i32) -> (i32, i32) {
    %eq3A = arith.constant 0 : i32
    %eq3A_0 = arith.cmpi eq, %arg0, %eq3A : i32
    %jit3A = arith.constant 0 : i32
    %select_n3A = arith.select %eq3A_0, %arg1, %jit3A : i32
    %c0_i32 = arith.constant 0 : i32
    %c0_i32_1 = arith.constant 0 : i32
    return %select_n3A, %c0_i32 : i32, i32
  }
  func.func @transform_2(%arg0: i32, %arg1: i32) -> (i32, i32, i32) {
    %eq3A = arith.constant 0 : i32
    %eq3A_0 = arith.cmpi eq, %arg0, %eq3A : i32
    %jit3A = arith.constant 0 : i32
    %select_n3A = arith.select %eq3A_0, %arg1, %jit3A : i32
    %c0_i32 = arith.constant 0 : i32
    %c0_i32_1 = arith.constant 0 : i32
    %c0_i32_2 = arith.constant 0 : i32
    return %c0_i32, %select_n3A, %c0_i32_1 : i32, i32, i32
  }
  func.func @transform_3(%arg0: i32, %arg1: i32) -> (i32, i32) {
    %c0_i32 = arith.constant 0 : i32
    %c0_i32_0 = arith.constant 0 : i32
    %c0_i32_1 = arith.constant 0 : i32
    return %c0_i32, %c0_i32_0 : i32, i32
  }
  func.func @transform_4(%arg0: i32, %arg1: i32) -> (i32, i32) {
    %c0_i32 = arith.constant 0 : i32
    %c0_i32_0 = arith.constant 0 : i32
    %c0_i32_1 = arith.constant 0 : i32
    return %c0_i32, %c0_i32_0 : i32, i32
  }
  func.func @transform_5(%arg0: i32, %arg1: i32) -> (i32, i32) {
    %c0_i32 = arith.constant 0 : i32
    %c0_i32_0 = arith.constant 0 : i32
    %c0_i32_1 = arith.constant 0 : i32
    return %c0_i32, %c0_i32_0 : i32, i32
  }
  func.func @transform_6(%arg0: i32, %arg1: i32) -> (i32, i32) {
    %c0_i32 = arith.constant 0 : i32
    %c0_i32_0 = arith.constant 0 : i32
    %c0_i32_1 = arith.constant 0 : i32
    return %c0_i32, %c0_i32_0 : i32, i32
  }
  func.func @transform_7(%arg0: i32, %arg1: i32) -> (i32, i32) {
    %c0_i32 = arith.constant 0 : i32
    %c0_i32_0 = arith.constant 0 : i32
    %c0_i32_1 = arith.constant 0 : i32
    return %c0_i32, %c0_i32_0 : i32, i32
  }
  func.func @transform_8(%arg0: i32, %arg1: i32) -> (i32, i32) {
    %c0_i32 = arith.constant 0 : i32
    %c0_i32_0 = arith.constant 0 : i32
    %c0_i32_1 = arith.constant 0 : i32
    return %c0_i32, %c0_i32_0 : i32, i32
  }
  func.func @transform_9(%arg0: i32, %arg1: i32) -> (i32, i32) {
    %c0_i32 = arith.constant 0 : i32
    %c0_i32_0 = arith.constant 0 : i32
    %c0_i32_1 = arith.constant 0 : i32
    return %c0_i32, %c0_i32_0 : i32, i32
  }
  func.func @transform_10(%arg0: i32, %arg1: i32) -> (i32, i32) {
    %c0_i32 = arith.constant 0 : i32
    %c0_i32_0 = arith.constant 0 : i32
    %c0_i32_1 = arith.constant 0 : i32
    return %c0_i32, %c0_i32_0 : i32, i32
  }
  func.func @transform_11(%arg0: i32, %arg1: i32) -> (i32, i32) {
    %c0_i32 = arith.constant 0 : i32
    %c0_i32_0 = arith.constant 0 : i32
    %c0_i32_1 = arith.constant 0 : i32
    return %c0_i32, %c0_i32_0 : i32, i32
  }
  func.func @transform_12(%arg0: i32, %arg1: i32) -> (i32, i32) {
    %c0_i32 = arith.constant 0 : i32
    %c0_i32_0 = arith.constant 0 : i32
    %c0_i32_1 = arith.constant 0 : i32
    return %c0_i32, %c0_i32_0 : i32, i32
  }
  func.func @transform_13(%arg0: i32, %arg1: i32) -> (i32, i32) {
    %eq3A = arith.constant 3 : i32
    %eq3A_0 = arith.cmpi eq, %arg0, %eq3A : i32
    %jit3A = arith.constant 0 : i32
    %select_n3A = arith.select %eq3A_0, %arg1, %jit3A : i32
    %c0_i32 = arith.constant 0 : i32
    %c0_i32_1 = arith.constant 0 : i32
    return %select_n3A, %c0_i32 : i32, i32
  }
  func.func @transform_14(%arg0: i32, %arg1: i32) -> (i32, i32, i32) {
    %eq3A = arith.constant 3 : i32
    %eq3A_0 = arith.cmpi eq, %arg0, %eq3A : i32
    %jit3A = arith.constant 0 : i32
    %select_n3A = arith.select %eq3A_0, %arg1, %jit3A : i32
    %c0_i32 = arith.constant 0 : i32
    %c0_i32_1 = arith.constant 0 : i32
    %c0_i32_2 = arith.constant 0 : i32
    return %c0_i32, %select_n3A, %c0_i32_1 : i32, i32, i32
  }
}

module attributes {stable_mosaic.version = 14 : i64} {
  func.func @body(%arg0: i32, %arg1: i32, %arg2: memref<1x1xf32, #tpu.memory_space<smem>>, %arg3: memref<2000x256xf32, #tpu.memory_space<vmem>>, %arg4: memref<2x2000x128xf32, #tpu.memory_space<vmem>>, %arg5: memref<2x2000x128xf32, #tpu.memory_space<vmem>>, %arg6: memref<256x256xf32, #tpu.memory_space<vmem>>, %arg7: memref<1x256xf32, #tpu.memory_space<vmem>>, %arg8: memref<1x256xf32, #tpu.memory_space<vmem>>, %arg9: memref<1x256xf32, #tpu.memory_space<vmem>>, %arg10: memref<256x256xf32, #tpu.memory_space<vmem>>, %arg11: memref<1x256xf32, #tpu.memory_space<vmem>>, %arg12: memref<1x256xf32, #tpu.memory_space<vmem>>, %arg13: memref<1x256xf32, #tpu.memory_space<vmem>>, %arg14: memref<1x256xf32, #tpu.memory_space<vmem>>, %arg15: memref<1x256xf32, #tpu.memory_space<vmem>>, %arg16: memref<2000x256xf32, #tpu.memory_space<vmem>>, %arg17: memref<10000x256xf32, #tpu.memory_space<vmem>>, %arg18: memref<3x2x256xf32, #tpu.memory_space<vmem>>) attributes {dimension_semantics = [#tpu.dimension_semantics<arbitrary>, #tpu.dimension_semantics<arbitrary>], iteration_bounds = array<i64: 4, 5>, scalar_prefetch = 0 : i64, scratch_operands = 2 : i64, tpu.core_type = #tpu.core_type<tc>, window_params = [{transform_indices = @transform_0, window_bounds = array<i64: 1, 1>}, {transform_indices = @transform_1, window_bounds = array<i64: 2000, 256>}, {transform_indices = @transform_2, window_bounds = array<i64: 2, 2000, 128>}, {transform_indices = @transform_3, window_bounds = array<i64: 2, 2000, 128>}, {pipeline_mode = #tpu.pipeline_mode<synchronous>, transform_indices = @transform_4, window_bounds = array<i64: 256, 256>}, {pipeline_mode = #tpu.pipeline_mode<synchronous>, transform_indices = @transform_5, window_bounds = array<i64: 1, 256>}, {pipeline_mode = #tpu.pipeline_mode<synchronous>, transform_indices = @transform_6, window_bounds = array<i64: 1, 256>}, {pipeline_mode = #tpu.pipeline_mode<synchronous>, transform_indices = @transform_7, window_bounds = array<i64: 1, 256>}, {pipeline_mode = #tpu.pipeline_mode<synchronous>, transform_indices = @transform_8, window_bounds = array<i64: 256, 256>}, {pipeline_mode = #tpu.pipeline_mode<synchronous>, transform_indices = @transform_9, window_bounds = array<i64: 1, 256>}, {pipeline_mode = #tpu.pipeline_mode<synchronous>, transform_indices = @transform_10, window_bounds = array<i64: 1, 256>}, {pipeline_mode = #tpu.pipeline_mode<synchronous>, transform_indices = @transform_11, window_bounds = array<i64: 1, 256>}, {pipeline_mode = #tpu.pipeline_mode<synchronous>, transform_indices = @transform_12, window_bounds = array<i64: 1, 256>}, {pipeline_mode = #tpu.pipeline_mode<synchronous>, transform_indices = @transform_13, window_bounds = array<i64: 1, 256>}, {transform_indices = @transform_14, window_bounds = array<i64: 2000, 256>}]} {
    %mul3A = arith.constant 2000 : i32
    %mul3A_0 = arith.muli %arg1, %mul3A : i32
    %eq3A = arith.constant 0 : i32
    %eq3A_1 = arith.cmpi eq, %arg0, %eq3A : i32
    %convert_element_type3A = arith.extui %eq3A_1 : i1 to i32
    %cond3A = arith.constant 0 : i32
    %cond3A_2 = arith.cmpi ne, %convert_element_type3A, %cond3A : i32
    scf.if %cond3A_2 {
      %get3A = arith.constant 0 : index
      %get3A_18 = arith.constant 0 : index
      %get3A_19 = arith.constant 0 : index
      %get3A_20 = vector.load %arg4[%get3A, %get3A_18, %get3A_19] : memref<2x2000x128xf32, #tpu.memory_space<vmem>>, vector<1x2000x128xf32>
      %get3A_21 = vector.shape_cast %get3A_20 : vector<1x2000x128xf32> to vector<2000x128xf32>
      %get3A_22 = arith.constant 1 : index
      %get3A_23 = arith.constant 0 : index
      %get3A_24 = arith.constant 0 : index
      %get3A_25 = vector.load %arg4[%get3A_22, %get3A_23, %get3A_24] : memref<2x2000x128xf32, #tpu.memory_space<vmem>>, vector<1x2000x128xf32>
      %get3A_26 = vector.shape_cast %get3A_25 : vector<1x2000x128xf32> to vector<2000x128xf32>
      %add3A = arith.addf %get3A_21, %get3A_26 : vector<2000x128xf32>
      %get3A_27 = arith.constant 0 : index
      %get3A_28 = arith.constant 0 : index
      %get3A_29 = arith.constant 0 : index
      %get3A_30 = vector.load %arg5[%get3A_27, %get3A_28, %get3A_29] : memref<2x2000x128xf32, #tpu.memory_space<vmem>>, vector<1x2000x128xf32>
      %get3A_31 = vector.shape_cast %get3A_30 : vector<1x2000x128xf32> to vector<2000x128xf32>
      %get3A_32 = arith.constant 1 : index
      %get3A_33 = arith.constant 0 : index
      %get3A_34 = arith.constant 0 : index
      %get3A_35 = vector.load %arg5[%get3A_32, %get3A_33, %get3A_34] : memref<2x2000x128xf32, #tpu.memory_space<vmem>>, vector<1x2000x128xf32>
      %get3A_36 = vector.shape_cast %get3A_35 : vector<1x2000x128xf32> to vector<2000x128xf32>
      %add3A_37 = arith.addf %get3A_31, %get3A_36 : vector<2000x128xf32>
      %concatenate3A = tpu.concatenate %add3A, %add3A_37 in 1 : vector<2000x128xf32>, vector<2000x128xf32> -> vector<2000x256xf32>
      %get3A_38 = arith.constant 0 : index
      %get3A_39 = arith.constant 0 : index
      %get3A_40 = memref.load %arg2[%get3A_38, %get3A_39] : memref<1x1xf32, #tpu.memory_space<smem>>
      %get3A_41 = arith.constant 0 : index
      %get3A_42 = arith.constant 0 : index
      %get3A_43 = vector.load %arg3[%get3A_41, %get3A_42] : memref<2000x256xf32, #tpu.memory_space<vmem>>, vector<2000x256xf32>
      %mul3A_44 = vector.broadcast %get3A_40 : f32 to vector<2000x256xf32>
      %mul3A_45 = arith.mulf %mul3A_44, %get3A_43 : vector<2000x256xf32>
      %add3A_46 = arith.addf %mul3A_45, %concatenate3A : vector<2000x256xf32>
      %get3A_47 = arith.constant 0 : index
      %get3A_48 = arith.constant 0 : index
      %get3A_49 = vector.load %arg6[%get3A_47, %get3A_48] : memref<256x256xf32, #tpu.memory_space<vmem>>, vector<256x256xf32>
      %dot_general3A = arith.constant dense<0.000000e+00> : vector<2000x256xf32>
      %dot_general3A_50 = tpu.matmul %add3A_46, %get3A_49, %dot_general3A {dimension_numbers = #tpu.dot_dimension_numbers<[1], [0], [0], [1], [0, 0, 1, 1], [], []>, transpose_lhs_hint = false} : vector<2000x256xf32>, vector<256x256xf32>, vector<2000x256xf32> -> vector<2000x256xf32>
      %get3A_51 = arith.constant 0 : index
      %get3A_52 = arith.constant 0 : index
      %get3A_53 = vector.load %arg7[%get3A_51, %get3A_52] : memref<1x256xf32, #tpu.memory_space<vmem>>, vector<1x256xf32>
      %add3A_54 = vector.broadcast %get3A_53 : vector<1x256xf32> to vector<2000x256xf32>
      %add3A_55 = arith.addf %dot_general3A_50, %add3A_54 : vector<2000x256xf32>
      %swap3A = arith.index_cast %mul3A_0 : i32 to index
      %swap3A_56 = arith.constant 0 : index
      %swap3A_57 = vector.load %arg17[%swap3A, %swap3A_56] : memref<10000x256xf32, #tpu.memory_space<vmem>>, vector<2000x256xf32>
      tpu.vector_store %arg17[%swap3A, %swap3A_56], %add3A_55 {strides = array<i32>} : memref<10000x256xf32, #tpu.memory_space<vmem>>, vector<2000x256xf32>,
      %eq3A_58 = arith.constant 0 : i32
      %eq3A_59 = arith.cmpi eq, %arg1, %eq3A_58 : i32
      %convert_element_type3A_60 = arith.extui %eq3A_59 : i1 to i32
      %cond3A_61 = arith.constant 0 : i32
      %cond3A_62 = arith.cmpi ne, %convert_element_type3A_60, %cond3A_61 : i32
      scf.if %cond3A_62 {
        %broadcast_in_dim3A = arith.constant 0.000000e+00 : f32
        %broadcast_in_dim3A_81 = vector.broadcast %broadcast_in_dim3A : f32 to vector<2x256xf32>
        %swap3A_82 = arith.constant 0 : index
        %swap3A_83 = arith.constant 0 : index
        %swap3A_84 = arith.constant 0 : index
        %swap3A_85 = vector.load %arg18[%swap3A_82, %swap3A_83, %swap3A_84] : memref<3x2x256xf32, #tpu.memory_space<vmem>>, vector<1x2x256xf32>
        %swap3A_86 = vector.shape_cast %swap3A_85 : vector<1x2x256xf32> to vector<2x256xf32>
        %swap3A_87 = vector.shape_cast %broadcast_in_dim3A_81 : vector<2x256xf32> to vector<1x2x256xf32>
        tpu.vector_store %arg18[%swap3A_82, %swap3A_83, %swap3A_84], %swap3A_87 {strides = array<i32>} : memref<3x2x256xf32, #tpu.memory_space<vmem>>, vector<1x2x256xf32>,
      } else {
      }
      %get3A_63 = arith.constant 0 : index
      %get3A_64 = arith.constant 0 : index
      %get3A_65 = arith.constant 0 : index
      %get3A_66 = vector.load %arg18[%get3A_63, %get3A_64, %get3A_65] : memref<3x2x256xf32, #tpu.memory_space<vmem>>, vector<1x2x256xf32>
      %get3A_67 = vector.shape_cast %get3A_66 : vector<1x2x256xf32> to vector<2x256xf32>
      %reduce_sum3A = arith.constant dense<0.000000e+00> : vector<256xf32>
      %reduce_sum3A_68 = vector.multi_reduction <add>, %add3A_55, %reduce_sum3A [0] : vector<2000x256xf32> to vector<256xf32>
      %mul3A_69 = arith.mulf %add3A_55, %add3A_55 : vector<2000x256xf32>
      %reduce_sum3A_70 = arith.constant dense<0.000000e+00> : vector<256xf32>
      %reduce_sum3A_71 = vector.multi_reduction <add>, %mul3A_69, %reduce_sum3A_70 [0] : vector<2000x256xf32> to vector<256xf32>
      %stack3A = vector.shape_cast %reduce_sum3A_68 : vector<256xf32> to vector<1x256xf32>
      %stack3A_72 = vector.shape_cast %reduce_sum3A_71 : vector<256xf32> to vector<1x256xf32>
      %stack3A_73 = tpu.concatenate %stack3A, %stack3A_72 in 0 : vector<1x256xf32>, vector<1x256xf32> -> vector<2x256xf32>
      %add3A_74 = arith.addf %get3A_67, %stack3A_73 : vector<2x256xf32>
      %swap3A_75 = arith.constant 0 : index
      %swap3A_76 = arith.constant 0 : index
      %swap3A_77 = arith.constant 0 : index
      %swap3A_78 = vector.load %arg18[%swap3A_75, %swap3A_76, %swap3A_77] : memref<3x2x256xf32, #tpu.memory_space<vmem>>, vector<1x2x256xf32>
      %swap3A_79 = vector.shape_cast %swap3A_78 : vector<1x2x256xf32> to vector<2x256xf32>
      %swap3A_80 = vector.shape_cast %add3A_74 : vector<2x256xf32> to vector<1x2x256xf32>
      tpu.vector_store %arg18[%swap3A_75, %swap3A_76, %swap3A_77], %swap3A_80 {strides = array<i32>} : memref<3x2x256xf32, #tpu.memory_space<vmem>>, vector<1x2x256xf32>,
    } else {
    }
    %eq3A_3 = arith.constant 1 : i32
    %eq3A_4 = arith.cmpi eq, %arg0, %eq3A_3 : i32
    %convert_element_type3A_5 = arith.extui %eq3A_4 : i1 to i32
    %cond3A_6 = arith.constant 0 : i32
    %cond3A_7 = arith.cmpi ne, %convert_element_type3A_5, %cond3A_6 : i32
    scf.if %cond3A_7 {
      %get3A = arith.constant 0 : index
      %get3A_18 = arith.constant 0 : index
      %get3A_19 = vector.load %arg8[%get3A, %get3A_18] : memref<1x256xf32, #tpu.memory_space<vmem>>, vector<1x256xf32>
      %get3A_20 = arith.constant 0 : index
      %get3A_21 = arith.constant 0 : index
      %get3A_22 = vector.load %arg9[%get3A_20, %get3A_21] : memref<1x256xf32, #tpu.memory_space<vmem>>, vector<1x256xf32>
      %get3A_23 = arith.constant 0 : index
      %get3A_24 = arith.constant 0 : index
      %get3A_25 = arith.constant 0 : index
      %get3A_26 = vector.load %arg18[%get3A_23, %get3A_24, %get3A_25] : memref<3x2x256xf32, #tpu.memory_space<vmem>>, vector<1x2x256xf32>
      %get3A_27 = vector.shape_cast %get3A_26 : vector<1x2x256xf32> to vector<2x256xf32>
      %slice3A = vector.extract_strided_slice %get3A_27 {offsets = [0, 0], sizes = [1, 256], strides = [1, 1]} : vector<2x256xf32> to vector<1x256xf32>
      %mul3A_28 = arith.constant 9.99999974E-5 : f32
      %mul3A_29 = vector.broadcast %mul3A_28 : f32 to vector<1x256xf32>
      %mul3A_30 = arith.mulf %slice3A, %mul3A_29 : vector<1x256xf32>
      %slice3A_31 = vector.extract_strided_slice %get3A_27 {offsets = [1, 0], sizes = [1, 256], strides = [1, 1]} : vector<2x256xf32> to vector<1x256xf32>
      %mul3A_32 = arith.constant 9.99999974E-5 : f32
      %mul3A_33 = vector.broadcast %mul3A_32 : f32 to vector<1x256xf32>
      %mul3A_34 = arith.mulf %slice3A_31, %mul3A_33 : vector<1x256xf32>
      %mul3A_35 = arith.mulf %mul3A_30, %mul3A_30 : vector<1x256xf32>
      %sub3A = arith.subf %mul3A_34, %mul3A_35 : vector<1x256xf32>
      %add3A = arith.constant 9.99999974E-6 : f32
      %add3A_36 = vector.broadcast %add3A : f32 to vector<1x256xf32>
      %add3A_37 = arith.addf %sub3A, %add3A_36 : vector<1x256xf32>
      %rsqrt3A = math.rsqrt %add3A_37 : vector<1x256xf32>
      %mul3A_38 = arith.mulf %rsqrt3A, %get3A_19 : vector<1x256xf32>
      %mul3A_39 = arith.mulf %mul3A_30, %rsqrt3A : vector<1x256xf32>
      %mul3A_40 = arith.mulf %mul3A_39, %get3A_19 : vector<1x256xf32>
      %sub3A_41 = arith.subf %get3A_22, %mul3A_40 : vector<1x256xf32>
      %get3A_42 = arith.index_cast %mul3A_0 : i32 to index
      %get3A_43 = arith.constant 0 : index
      %get3A_44 = vector.load %arg17[%get3A_42, %get3A_43] : memref<10000x256xf32, #tpu.memory_space<vmem>>, vector<2000x256xf32>
      %mul3A_45 = vector.broadcast %mul3A_38 : vector<1x256xf32> to vector<2000x256xf32>
      %mul3A_46 = arith.mulf %get3A_44, %mul3A_45 : vector<2000x256xf32>
      %add3A_47 = vector.broadcast %sub3A_41 : vector<1x256xf32> to vector<2000x256xf32>
      %add3A_48 = arith.addf %mul3A_46, %add3A_47 : vector<2000x256xf32>
      %max3A = arith.constant 0.000000e+00 : f32
      %max3A_49 = vector.broadcast %max3A : f32 to vector<2000x256xf32>
      %max3A_50 = arith.maximumf %add3A_48, %max3A_49 : vector<2000x256xf32>
      %get3A_51 = arith.constant 0 : index
      %get3A_52 = arith.constant 0 : index
      %get3A_53 = vector.load %arg10[%get3A_51, %get3A_52] : memref<256x256xf32, #tpu.memory_space<vmem>>, vector<256x256xf32>
      %dot_general3A = arith.constant dense<0.000000e+00> : vector<2000x256xf32>
      %dot_general3A_54 = tpu.matmul %max3A_50, %get3A_53, %dot_general3A {dimension_numbers = #tpu.dot_dimension_numbers<[1], [0], [0], [1], [0, 0, 1, 1], [], []>, transpose_lhs_hint = false} : vector<2000x256xf32>, vector<256x256xf32>, vector<2000x256xf32> -> vector<2000x256xf32>
      %get3A_55 = arith.constant 0 : index
      %get3A_56 = arith.constant 0 : index
      %get3A_57 = vector.load %arg11[%get3A_55, %get3A_56] : memref<1x256xf32, #tpu.memory_space<vmem>>, vector<1x256xf32>
      %add3A_58 = vector.broadcast %get3A_57 : vector<1x256xf32> to vector<2000x256xf32>
      %add3A_59 = arith.addf %dot_general3A_54, %add3A_58 : vector<2000x256xf32>
      %swap3A = arith.index_cast %mul3A_0 : i32 to index
      %swap3A_60 = arith.constant 0 : index
      %swap3A_61 = vector.load %arg17[%swap3A, %swap3A_60] : memref<10000x256xf32, #tpu.memory_space<vmem>>, vector<2000x256xf32>
      tpu.vector_store %arg17[%swap3A, %swap3A_60], %add3A_59 {strides = array<i32>} : memref<10000x256xf32, #tpu.memory_space<vmem>>, vector<2000x256xf32>,
      %eq3A_62 = arith.constant 0 : i32
      %eq3A_63 = arith.cmpi eq, %arg1, %eq3A_62 : i32
      %convert_element_type3A_64 = arith.extui %eq3A_63 : i1 to i32
      %cond3A_65 = arith.constant 0 : i32
      %cond3A_66 = arith.cmpi ne, %convert_element_type3A_64, %cond3A_65 : i32
      scf.if %cond3A_66 {
        %broadcast_in_dim3A = arith.constant 0.000000e+00 : f32
        %broadcast_in_dim3A_85 = vector.broadcast %broadcast_in_dim3A : f32 to vector<2x256xf32>
        %swap3A_86 = arith.constant 1 : index
        %swap3A_87 = arith.constant 0 : index
        %swap3A_88 = arith.constant 0 : index
        %swap3A_89 = vector.load %arg18[%swap3A_86, %swap3A_87, %swap3A_88] : memref<3x2x256xf32, #tpu.memory_space<vmem>>, vector<1x2x256xf32>
        %swap3A_90 = vector.shape_cast %swap3A_89 : vector<1x2x256xf32> to vector<2x256xf32>
        %swap3A_91 = vector.shape_cast %broadcast_in_dim3A_85 : vector<2x256xf32> to vector<1x2x256xf32>
        tpu.vector_store %arg18[%swap3A_86, %swap3A_87, %swap3A_88], %swap3A_91 {strides = array<i32>} : memref<3x2x256xf32, #tpu.memory_space<vmem>>, vector<1x2x256xf32>,
      } else {
      }
      %get3A_67 = arith.constant 1 : index
      %get3A_68 = arith.constant 0 : index
      %get3A_69 = arith.constant 0 : index
      %get3A_70 = vector.load %arg18[%get3A_67, %get3A_68, %get3A_69] : memref<3x2x256xf32, #tpu.memory_space<vmem>>, vector<1x2x256xf32>
      %get3A_71 = vector.shape_cast %get3A_70 : vector<1x2x256xf32> to vector<2x256xf32>
      %reduce_sum3A = arith.constant dense<0.000000e+00> : vector<256xf32>
      %reduce_sum3A_72 = vector.multi_reduction <add>, %add3A_59, %reduce_sum3A [0] : vector<2000x256xf32> to vector<256xf32>
      %mul3A_73 = arith.mulf %add3A_59, %add3A_59 : vector<2000x256xf32>
      %reduce_sum3A_74 = arith.constant dense<0.000000e+00> : vector<256xf32>
      %reduce_sum3A_75 = vector.multi_reduction <add>, %mul3A_73, %reduce_sum3A_74 [0] : vector<2000x256xf32> to vector<256xf32>
      %stack3A = vector.shape_cast %reduce_sum3A_72 : vector<256xf32> to vector<1x256xf32>
      %stack3A_76 = vector.shape_cast %reduce_sum3A_75 : vector<256xf32> to vector<1x256xf32>
      %stack3A_77 = tpu.concatenate %stack3A, %stack3A_76 in 0 : vector<1x256xf32>, vector<1x256xf32> -> vector<2x256xf32>
      %add3A_78 = arith.addf %get3A_71, %stack3A_77 : vector<2x256xf32>
      %swap3A_79 = arith.constant 1 : index
      %swap3A_80 = arith.constant 0 : index
      %swap3A_81 = arith.constant 0 : index
      %swap3A_82 = vector.load %arg18[%swap3A_79, %swap3A_80, %swap3A_81] : memref<3x2x256xf32, #tpu.memory_space<vmem>>, vector<1x2x256xf32>
      %swap3A_83 = vector.shape_cast %swap3A_82 : vector<1x2x256xf32> to vector<2x256xf32>
      %swap3A_84 = vector.shape_cast %add3A_78 : vector<2x256xf32> to vector<1x2x256xf32>
      tpu.vector_store %arg18[%swap3A_79, %swap3A_80, %swap3A_81], %swap3A_84 {strides = array<i32>} : memref<3x2x256xf32, #tpu.memory_space<vmem>>, vector<1x2x256xf32>,
    } else {
    }
    %eq3A_8 = arith.constant 2 : i32
    %eq3A_9 = arith.cmpi eq, %arg0, %eq3A_8 : i32
    %convert_element_type3A_10 = arith.extui %eq3A_9 : i1 to i32
    %cond3A_11 = arith.constant 0 : i32
    %cond3A_12 = arith.cmpi ne, %convert_element_type3A_10, %cond3A_11 : i32
    scf.if %cond3A_12 {
      %get3A = arith.constant 0 : index
      %get3A_18 = arith.constant 0 : index
      %get3A_19 = vector.load %arg12[%get3A, %get3A_18] : memref<1x256xf32, #tpu.memory_space<vmem>>, vector<1x256xf32>
      %get3A_20 = arith.constant 0 : index
      %get3A_21 = arith.constant 0 : index
      %get3A_22 = vector.load %arg13[%get3A_20, %get3A_21] : memref<1x256xf32, #tpu.memory_space<vmem>>, vector<1x256xf32>
      %get3A_23 = arith.constant 1 : index
      %get3A_24 = arith.constant 0 : index
      %get3A_25 = arith.constant 0 : index
      %get3A_26 = vector.load %arg18[%get3A_23, %get3A_24, %get3A_25] : memref<3x2x256xf32, #tpu.memory_space<vmem>>, vector<1x2x256xf32>
      %get3A_27 = vector.shape_cast %get3A_26 : vector<1x2x256xf32> to vector<2x256xf32>
      %slice3A = vector.extract_strided_slice %get3A_27 {offsets = [0, 0], sizes = [1, 256], strides = [1, 1]} : vector<2x256xf32> to vector<1x256xf32>
      %mul3A_28 = arith.constant 9.99999974E-5 : f32
      %mul3A_29 = vector.broadcast %mul3A_28 : f32 to vector<1x256xf32>
      %mul3A_30 = arith.mulf %slice3A, %mul3A_29 : vector<1x256xf32>
      %slice3A_31 = vector.extract_strided_slice %get3A_27 {offsets = [1, 0], sizes = [1, 256], strides = [1, 1]} : vector<2x256xf32> to vector<1x256xf32>
      %mul3A_32 = arith.constant 9.99999974E-5 : f32
      %mul3A_33 = vector.broadcast %mul3A_32 : f32 to vector<1x256xf32>
      %mul3A_34 = arith.mulf %slice3A_31, %mul3A_33 : vector<1x256xf32>
      %mul3A_35 = arith.mulf %mul3A_30, %mul3A_30 : vector<1x256xf32>
      %sub3A = arith.subf %mul3A_34, %mul3A_35 : vector<1x256xf32>
      %add3A = arith.constant 9.99999974E-6 : f32
      %add3A_36 = vector.broadcast %add3A : f32 to vector<1x256xf32>
      %add3A_37 = arith.addf %sub3A, %add3A_36 : vector<1x256xf32>
      %rsqrt3A = math.rsqrt %add3A_37 : vector<1x256xf32>
      %mul3A_38 = arith.mulf %rsqrt3A, %get3A_19 : vector<1x256xf32>
      %mul3A_39 = arith.mulf %mul3A_30, %rsqrt3A : vector<1x256xf32>
      %mul3A_40 = arith.mulf %mul3A_39, %get3A_19 : vector<1x256xf32>
      %sub3A_41 = arith.subf %get3A_22, %mul3A_40 : vector<1x256xf32>
      %get3A_42 = arith.index_cast %mul3A_0 : i32 to index
      %get3A_43 = arith.constant 0 : index
      %get3A_44 = vector.load %arg17[%get3A_42, %get3A_43] : memref<10000x256xf32, #tpu.memory_space<vmem>>, vector<2000x256xf32>
      %mul3A_45 = vector.broadcast %mul3A_38 : vector<1x256xf32> to vector<2000x256xf32>
      %mul3A_46 = arith.mulf %get3A_44, %mul3A_45 : vector<2000x256xf32>
      %add3A_47 = vector.broadcast %sub3A_41 : vector<1x256xf32> to vector<2000x256xf32>
      %add3A_48 = arith.addf %mul3A_46, %add3A_47 : vector<2000x256xf32>
      %max3A = arith.constant 0.000000e+00 : f32
      %max3A_49 = vector.broadcast %max3A : f32 to vector<2000x256xf32>
      %max3A_50 = arith.maximumf %add3A_48, %max3A_49 : vector<2000x256xf32>
      %swap3A = arith.index_cast %mul3A_0 : i32 to index
      %swap3A_51 = arith.constant 0 : index
      %swap3A_52 = vector.load %arg17[%swap3A, %swap3A_51] : memref<10000x256xf32, #tpu.memory_space<vmem>>, vector<2000x256xf32>
      tpu.vector_store %arg17[%swap3A, %swap3A_51], %max3A_50 {strides = array<i32>} : memref<10000x256xf32, #tpu.memory_space<vmem>>, vector<2000x256xf32>,
      %eq3A_53 = arith.constant 0 : i32
      %eq3A_54 = arith.cmpi eq, %arg1, %eq3A_53 : i32
      %convert_element_type3A_55 = arith.extui %eq3A_54 : i1 to i32
      %cond3A_56 = arith.constant 0 : i32
      %cond3A_57 = arith.cmpi ne, %convert_element_type3A_55, %cond3A_56 : i32
      scf.if %cond3A_57 {
        %broadcast_in_dim3A = arith.constant 0.000000e+00 : f32
        %broadcast_in_dim3A_76 = vector.broadcast %broadcast_in_dim3A : f32 to vector<2x256xf32>
        %swap3A_77 = arith.constant 2 : index
        %swap3A_78 = arith.constant 0 : index
        %swap3A_79 = arith.constant 0 : index
        %swap3A_80 = vector.load %arg18[%swap3A_77, %swap3A_78, %swap3A_79] : memref<3x2x256xf32, #tpu.memory_space<vmem>>, vector<1x2x256xf32>
        %swap3A_81 = vector.shape_cast %swap3A_80 : vector<1x2x256xf32> to vector<2x256xf32>
        %swap3A_82 = vector.shape_cast %broadcast_in_dim3A_76 : vector<2x256xf32> to vector<1x2x256xf32>
        tpu.vector_store %arg18[%swap3A_77, %swap3A_78, %swap3A_79], %swap3A_82 {strides = array<i32>} : memref<3x2x256xf32, #tpu.memory_space<vmem>>, vector<1x2x256xf32>,
      } else {
      }
      %get3A_58 = arith.constant 2 : index
      %get3A_59 = arith.constant 0 : index
      %get3A_60 = arith.constant 0 : index
      %get3A_61 = vector.load %arg18[%get3A_58, %get3A_59, %get3A_60] : memref<3x2x256xf32, #tpu.memory_space<vmem>>, vector<1x2x256xf32>
      %get3A_62 = vector.shape_cast %get3A_61 : vector<1x2x256xf32> to vector<2x256xf32>
      %reduce_sum3A = arith.constant dense<0.000000e+00> : vector<256xf32>
      %reduce_sum3A_63 = vector.multi_reduction <add>, %max3A_50, %reduce_sum3A [0] : vector<2000x256xf32> to vector<256xf32>
      %mul3A_64 = arith.mulf %max3A_50, %max3A_50 : vector<2000x256xf32>
      %reduce_sum3A_65 = arith.constant dense<0.000000e+00> : vector<256xf32>
      %reduce_sum3A_66 = vector.multi_reduction <add>, %mul3A_64, %reduce_sum3A_65 [0] : vector<2000x256xf32> to vector<256xf32>
      %stack3A = vector.shape_cast %reduce_sum3A_63 : vector<256xf32> to vector<1x256xf32>
      %stack3A_67 = vector.shape_cast %reduce_sum3A_66 : vector<256xf32> to vector<1x256xf32>
      %stack3A_68 = tpu.concatenate %stack3A, %stack3A_67 in 0 : vector<1x256xf32>, vector<1x256xf32> -> vector<2x256xf32>
      %add3A_69 = arith.addf %get3A_62, %stack3A_68 : vector<2x256xf32>
      %swap3A_70 = arith.constant 2 : index
      %swap3A_71 = arith.constant 0 : index
      %swap3A_72 = arith.constant 0 : index
      %swap3A_73 = vector.load %arg18[%swap3A_70, %swap3A_71, %swap3A_72] : memref<3x2x256xf32, #tpu.memory_space<vmem>>, vector<1x2x256xf32>
      %swap3A_74 = vector.shape_cast %swap3A_73 : vector<1x2x256xf32> to vector<2x256xf32>
      %swap3A_75 = vector.shape_cast %add3A_69 : vector<2x256xf32> to vector<1x2x256xf32>
      tpu.vector_store %arg18[%swap3A_70, %swap3A_71, %swap3A_72], %swap3A_75 {strides = array<i32>} : memref<3x2x256xf32, #tpu.memory_space<vmem>>, vector<1x2x256xf32>,
    } else {
    }
    %eq3A_13 = arith.constant 3 : i32
    %eq3A_14 = arith.cmpi eq, %arg0, %eq3A_13 : i32
    %convert_element_type3A_15 = arith.extui %eq3A_14 : i1 to i32
    %cond3A_16 = arith.constant 0 : i32
    %cond3A_17 = arith.cmpi ne, %convert_element_type3A_15, %cond3A_16 : i32
    scf.if %cond3A_17 {
      %get3A = arith.constant 0 : index
      %get3A_18 = arith.constant 0 : index
      %get3A_19 = vector.load %arg14[%get3A, %get3A_18] : memref<1x256xf32, #tpu.memory_space<vmem>>, vector<1x256xf32>
      %get3A_20 = arith.constant 0 : index
      %get3A_21 = arith.constant 0 : index
      %get3A_22 = vector.load %arg15[%get3A_20, %get3A_21] : memref<1x256xf32, #tpu.memory_space<vmem>>, vector<1x256xf32>
      %get3A_23 = arith.constant 2 : index
      %get3A_24 = arith.constant 0 : index
      %get3A_25 = arith.constant 0 : index
      %get3A_26 = vector.load %arg18[%get3A_23, %get3A_24, %get3A_25] : memref<3x2x256xf32, #tpu.memory_space<vmem>>, vector<1x2x256xf32>
      %get3A_27 = vector.shape_cast %get3A_26 : vector<1x2x256xf32> to vector<2x256xf32>
      %slice3A = vector.extract_strided_slice %get3A_27 {offsets = [0, 0], sizes = [1, 256], strides = [1, 1]} : vector<2x256xf32> to vector<1x256xf32>
      %mul3A_28 = arith.constant 9.99999974E-5 : f32
      %mul3A_29 = vector.broadcast %mul3A_28 : f32 to vector<1x256xf32>
      %mul3A_30 = arith.mulf %slice3A, %mul3A_29 : vector<1x256xf32>
      %slice3A_31 = vector.extract_strided_slice %get3A_27 {offsets = [1, 0], sizes = [1, 256], strides = [1, 1]} : vector<2x256xf32> to vector<1x256xf32>
      %mul3A_32 = arith.constant 9.99999974E-5 : f32
      %mul3A_33 = vector.broadcast %mul3A_32 : f32 to vector<1x256xf32>
      %mul3A_34 = arith.mulf %slice3A_31, %mul3A_33 : vector<1x256xf32>
      %mul3A_35 = arith.mulf %mul3A_30, %mul3A_30 : vector<1x256xf32>
      %sub3A = arith.subf %mul3A_34, %mul3A_35 : vector<1x256xf32>
      %add3A = arith.constant 9.99999974E-6 : f32
      %add3A_36 = vector.broadcast %add3A : f32 to vector<1x256xf32>
      %add3A_37 = arith.addf %sub3A, %add3A_36 : vector<1x256xf32>
      %rsqrt3A = math.rsqrt %add3A_37 : vector<1x256xf32>
      %mul3A_38 = arith.mulf %rsqrt3A, %get3A_19 : vector<1x256xf32>
      %mul3A_39 = arith.mulf %mul3A_30, %rsqrt3A : vector<1x256xf32>
      %mul3A_40 = arith.mulf %mul3A_39, %get3A_19 : vector<1x256xf32>
      %sub3A_41 = arith.subf %get3A_22, %mul3A_40 : vector<1x256xf32>
      %get3A_42 = arith.index_cast %mul3A_0 : i32 to index
      %get3A_43 = arith.constant 0 : index
      %get3A_44 = vector.load %arg17[%get3A_42, %get3A_43] : memref<10000x256xf32, #tpu.memory_space<vmem>>, vector<2000x256xf32>
      %mul3A_45 = vector.broadcast %mul3A_38 : vector<1x256xf32> to vector<2000x256xf32>
      %mul3A_46 = arith.mulf %get3A_44, %mul3A_45 : vector<2000x256xf32>
      %add3A_47 = vector.broadcast %sub3A_41 : vector<1x256xf32> to vector<2000x256xf32>
      %add3A_48 = arith.addf %mul3A_46, %add3A_47 : vector<2000x256xf32>
      %max3A = arith.constant 0.000000e+00 : f32
      %max3A_49 = vector.broadcast %max3A : f32 to vector<2000x256xf32>
      %max3A_50 = arith.maximumf %add3A_48, %max3A_49 : vector<2000x256xf32>
      %swap3A = arith.constant 0 : index
      %swap3A_51 = arith.constant 0 : index
      %swap3A_52 = vector.load %arg16[%swap3A, %swap3A_51] : memref<2000x256xf32, #tpu.memory_space<vmem>>, vector<2000x256xf32>
      tpu.vector_store %arg16[%swap3A, %swap3A_51], %max3A_50 {strides = array<i32>} : memref<2000x256xf32, #tpu.memory_space<vmem>>, vector<2000x256xf32>,
    } else {
    }
    return
  }
  func.func @transform_0(%arg0: i32, %arg1: i32) -> (i32, i32) {
    %c0_i32 = arith.constant 0 : i32
    %c0_i32_0 = arith.constant 0 : i32
    %c0_i32_1 = arith.constant 0 : i32
    return %c0_i32, %c0_i32_0 : i32, i32
  }
  func.func @transform_1(%arg0: i32, %arg1: i32) -> (i32, i32) {
    %eq3A = arith.constant 0 : i32
    %eq3A_0 = arith.cmpi eq, %arg0, %eq3A : i32
    %jit3A = arith.constant 0 : i32
    %select_n3A = arith.select %eq3A_0, %arg1, %jit3A : i32
    %c0_i32 = arith.constant 0 : i32
    %c0_i32_1 = arith.constant 0 : i32
    return %select_n3A, %c0_i32 : i32, i32
  }
  func.func @transform_2(%arg0: i32, %arg1: i32) -> (i32, i32, i32) {
    %eq3A = arith.constant 0 : i32
    %eq3A_0 = arith.cmpi eq, %arg0, %eq3A : i32
    %jit3A = arith.constant 0 : i32
    %select_n3A = arith.select %eq3A_0, %arg1, %jit3A : i32
    %c0_i32 = arith.constant 0 : i32
    %c0_i32_1 = arith.constant 0 : i32
    %c0_i32_2 = arith.constant 0 : i32
    return %c0_i32, %select_n3A, %c0_i32_1 : i32, i32, i32
  }
  func.func @transform_3(%arg0: i32, %arg1: i32) -> (i32, i32, i32) {
    %eq3A = arith.constant 0 : i32
    %eq3A_0 = arith.cmpi eq, %arg0, %eq3A : i32
    %jit3A = arith.constant 0 : i32
    %select_n3A = arith.select %eq3A_0, %arg1, %jit3A : i32
    %c0_i32 = arith.constant 0 : i32
    %c0_i32_1 = arith.constant 0 : i32
    %c0_i32_2 = arith.constant 0 : i32
    return %c0_i32, %select_n3A, %c0_i32_1 : i32, i32, i32
  }
  func.func @transform_4(%arg0: i32, %arg1: i32) -> (i32, i32) {
    %c0_i32 = arith.constant 0 : i32
    %c0_i32_0 = arith.constant 0 : i32
    %c0_i32_1 = arith.constant 0 : i32
    return %c0_i32, %c0_i32_0 : i32, i32
  }
  func.func @transform_5(%arg0: i32, %arg1: i32) -> (i32, i32) {
    %c0_i32 = arith.constant 0 : i32
    %c0_i32_0 = arith.constant 0 : i32
    %c0_i32_1 = arith.constant 0 : i32
    return %c0_i32, %c0_i32_0 : i32, i32
  }
  func.func @transform_6(%arg0: i32, %arg1: i32) -> (i32, i32) {
    %c0_i32 = arith.constant 0 : i32
    %c0_i32_0 = arith.constant 0 : i32
    %c0_i32_1 = arith.constant 0 : i32
    return %c0_i32, %c0_i32_0 : i32, i32
  }
  func.func @transform_7(%arg0: i32, %arg1: i32) -> (i32, i32) {
    %c0_i32 = arith.constant 0 : i32
    %c0_i32_0 = arith.constant 0 : i32
    %c0_i32_1 = arith.constant 0 : i32
    return %c0_i32, %c0_i32_0 : i32, i32
  }
  func.func @transform_8(%arg0: i32, %arg1: i32) -> (i32, i32) {
    %c0_i32 = arith.constant 0 : i32
    %c0_i32_0 = arith.constant 0 : i32
    %c0_i32_1 = arith.constant 0 : i32
    return %c0_i32, %c0_i32_0 : i32, i32
  }
  func.func @transform_9(%arg0: i32, %arg1: i32) -> (i32, i32) {
    %c0_i32 = arith.constant 0 : i32
    %c0_i32_0 = arith.constant 0 : i32
    %c0_i32_1 = arith.constant 0 : i32
    return %c0_i32, %c0_i32_0 : i32, i32
  }
  func.func @transform_10(%arg0: i32, %arg1: i32) -> (i32, i32) {
    %c0_i32 = arith.constant 0 : i32
    %c0_i32_0 = arith.constant 0 : i32
    %c0_i32_1 = arith.constant 0 : i32
    return %c0_i32, %c0_i32_0 : i32, i32
  }
  func.func @transform_11(%arg0: i32, %arg1: i32) -> (i32, i32) {
    %c0_i32 = arith.constant 0 : i32
    %c0_i32_0 = arith.constant 0 : i32
    %c0_i32_1 = arith.constant 0 : i32
    return %c0_i32, %c0_i32_0 : i32, i32
  }
  func.func @transform_12(%arg0: i32, %arg1: i32) -> (i32, i32) {
    %c0_i32 = arith.constant 0 : i32
    %c0_i32_0 = arith.constant 0 : i32
    %c0_i32_1 = arith.constant 0 : i32
    return %c0_i32, %c0_i32_0 : i32, i32
  }
  func.func @transform_13(%arg0: i32, %arg1: i32) -> (i32, i32) {
    %c0_i32 = arith.constant 0 : i32
    %c0_i32_0 = arith.constant 0 : i32
    %c0_i32_1 = arith.constant 0 : i32
    return %c0_i32, %c0_i32_0 : i32, i32
  }
  func.func @transform_14(%arg0: i32, %arg1: i32) -> (i32, i32) {
    %eq3A = arith.constant 3 : i32
    %eq3A_0 = arith.cmpi eq, %arg0, %eq3A : i32
    %jit3A = arith.constant 0 : i32
    %select_n3A = arith.select %eq3A_0, %arg1, %jit3A : i32
    %c0_i32 = arith.constant 0 : i32
    %c0_i32_1 = arith.constant 0 : i32
    return %select_n3A, %c0_i32 : i32, i32
  }
}

</mosaic_0001>

<sc_bundles>
// kernel: kernel.10.cloned.1.call-start
scs
__scs_entry_jumppad:
0x0: {  	(pc) =	sbr.rel $0x88, $3  }
0x1: {  	(tag) =	ssettag $0x0;
	lr =	simm.s32 $0x1  }
0x2: {  	[smem:$0x3F89] =	sst lr;
	_ =	strace $0xD0000000  }
0x3: {  	_ = 	snop  }
0x4: {  	_ = 	snop  }
0x5: {  	_ = 	snop  }
0x6: {  	_ = 	snop  }
0x7: {  	_ = 	snop  }
__scs_overlays_trampoline_lowered:
0x8: {  	[smem:$0x3F98] =	sst s0  }
0x9: {  	[smem:$0x3F99] =	sst s1  }
0xa: {  	[smem:$0x3F9A] =	sst s2  }
0xb: {  	[smem:$0x3F9B] =	sst s3  }
0xc: {  	[smem:$0x3F9C] =	sst s4  }
0xd: {  	[smem:$0x3F9D] =	sst s5  }
0xe: {  	[smem:$0x3F9E] =	sst s6  }
0xf: {  	[smem:$0x3F9F] =	sst s7  }
0x10: {  	[smem:$0x3FA0] =	sst s8  }
0x11: {  	[smem:$0x3FA1] =	sst s9;
	s0 =	simm.s32 @!p0 $0x0  }
0x12: {  	s1 =	sld [smem:$0x3F87];
	s0 =	simm.s32 @p0 $0x1  }
0x13: {  	[smem:$0x3FA2] =	sst s0;
	s0 =	simm.s32 @!p1 $0x0  }
0x14: {  	s2 =	sld [smem:$0x3F86];
	s0 =	simm.s32 @p1 $0x1  }
0x15: {  	[smem:$0x3FA3] =	sst s0;
	s0 =	simm.s32 @!p2 $0x0  }
0x16: {  	s3 =	sld [smem:$0x3FDB];
	s0 =	simm.s32 @p2 $0x1  }
0x17: {  	s4 =	simm.s32 $0x1BF5;
	[smem:$0x3FA5] =	sst s0  }
0x18: {  	s0 =	sld [smem:$0x3F88];
	_ =	swait.ge [sflag:s4], $0x0  }
0x19: {  	s7 =	sld [smem:$0x3F89]  }
0x1a: {  	s8 =	sadd.s32 $0xFFFFE003, lr  }
0x1b: {  	s9 =	sadd.s32 $0xFFFFFEF7, lr;
	s5 =	simm.s32 $0xFFFFFFFF;
	p2 =	slt.u32 s8, $0xFFFFF086  }
0x1c: {  	p1 =	slt.u32 s9, $0xF7A;
	s5 =	simm.s32 @!p2 $0x0  }
0x1d: {  	s5 =	simm.s32 @p1 $0x1;
	p0 =	seq.s32 s7, s2  }
0x1e: {  	s7 =	smul.u32 @!p0 $0xF7A, s2;
	p2 =	seq.s32 @!p0 s5, $0x0  }
0x1f: {  	s9 =	smul.u32 $0xF7A, s1;
	s8 =	simm.s32 @!p0 $0x1BF5;
	p2 =	por !p2, p0  }
0x20: {  	[sflag:s8] =	ssyncset.s32 @!p0 $0xFFFFF086;
	s6 =	sadd.s32 @!p0 s3, s7;
	s7 =	simm.s32 @!p0 $0x108  }
0x21: {  	s3 =	sadd.s32 s3, s9;
	s6 =	sadd.s32 @!p0 $0x88, s6;
	s7 =	simm.s32 @p2 $0x1082  }
0x22: {  	[simem:s7], [sflag:s8] =	dma.local @!p0 [hbm:s6], $0xF7A  }
0x23: {  	s9 =	sor.u32 $0xD0000000, s2;
	s6 =	simm.s32 $0x108;
	_ =	swait.ge @!p0 [sflag:s8], $0x0  }
0x24: {  	s3 =	sadd.s32 $0x88, s3;
	s6 =	simm.s32 @!p1 $0x1082;
	[sflag:s4] =	ssyncset.s32 $0xFFFFF086  }
0x25: {  	[simem:s6], [sflag:s4] =	dma.local [hbm:s3], $0xF7A  }
0x26: {  	[smem:$0x3F89] =	sst s1;
	(tag) =	ssettag s2;
	_ =	strace s9  }
0x27: {  	s1 =	sld [smem:$0x3F99]  }
0x28: {  	s2 =	sld [smem:$0x3F9A]  }
0x29: {  	s4 =	sld [smem:$0x3F9C]  }
0x2a: {  	p0 =	seq.s32 s5, $0x0;
	s5 =	sld [smem:$0x3F9D]  }
0x2b: {  	s6 =	sld [smem:$0x3F9E]  }
0x2c: {  	s7 =	sld [smem:$0x3F9F]  }
0x2d: {  	s3 =	simm.s32 $0x108;
	s8 =	sld [smem:$0x3FA0]  }
0x2e: {  	s3 =	simm.s32 @!p0 $0x1082;
	s9 =	sld [smem:$0x3FA1]  }
0x2f: {  	lr =	sadd.s32 s0, s3;
	s0 =	sld [smem:$0x3F98]  }
0x30: {  	s3 =	sld [smem:$0x3F9B]  }
0x31: {  	[smem:$0x3FA4] =	sst s10  }
0x32: {  	s10 =	sld [smem:$0x3FA2];
	_ =	sdelay $0x3  }
0x33: {  	p0 =	seq.s32 s10, $0x1;
	s10 =	sld [smem:$0x3FA4];
	_ =	sdelay $0x3  }
0x34: {  	[smem:$0x3FA4] =	sst s10  }
0x35: {  	s10 =	sld [smem:$0x3FA3];
	_ =	sdelay $0x3  }
0x36: {  	p1 =	seq.s32 s10, $0x1;
	s10 =	sld [smem:$0x3FA4];
	_ =	sdelay $0x3  }
0x37: {  	[smem:$0x3FA4] =	sst s10  }
0x38: {  	s10 =	sld [smem:$0x3FA5]  }
0x39: {  	_ = 	snop;
	(pc) =	sbr.ind lr, $3  }
0x3a: {  	_ = 	snop  }
0x3b: {  	_ = 	snop  }
0x3c: {  	p2 =	seq.s32 s10, $0x1;
	s10 =	sld [smem:$0x3FA4]  }
0x3d: {  	_ =	shalt  }
0x3e: {  	_ =	shalt  }
0x3f: {  	_ =	shalt  }
0x40: {  	_ =	shalt  }
0x41: {  	_ =	shalt  }
0x42: {  	_ =	shalt  }
0x43: {  	_ =	shalt  }
0x44: {  	_ =	shalt  }
0x45: {  	_ =	shalt  }
0x46: {  	_ =	shalt  }
0x47: {  	_ =	shalt  }
0x48: {  	_ =	shalt  }
0x49: {  	_ =	shalt  }
0x4a: {  	_ =	shalt  }
0x4b: {  	_ =	shalt  }
0x4c: {  	_ =	shalt  }
0x4d: {  	_ =	shalt  }
0x4e: {  	_ =	shalt  }
0x4f: {  	_ =	shalt  }
0x50: {  	_ =	shalt  }
0x51: {  	_ =	shalt  }
0x52: {  	_ =	shalt  }
0x53: {  	_ =	shalt  }
0x54: {  	_ =	shalt  }
0x55: {  	_ =	shalt  }
0x56: {  	_ =	shalt  }
0x57: {  	_ =	shalt  }
0x58: {  	_ =	shalt  }
0x59: {  	_ =	shalt  }
0x5a: {  	_ =	shalt  }
0x5b: {  	_ =	shalt  }
0x5c: {  	_ =	shalt  }
0x5d: {  	_ =	shalt  }
0x5e: {  	_ =	shalt  }
0x5f: {  	_ =	shalt  }
0x60: {  	_ =	shalt  }
0x61: {  	_ =	shalt  }
0x62: {  	_ =	shalt  }
0x63: {  	_ =	shalt  }
0x64: {  	_ =	shalt  }
0x65: {  	_ =	shalt  }
0x66: {  	_ =	shalt  }
0x67: {  	_ =	shalt  }
0x68: {  	_ =	shalt  }
0x69: {  	_ =	shalt  }
0x6a: {  	_ =	shalt  }
0x6b: {  	_ =	shalt  }
0x6c: {  	_ =	shalt  }
0x6d: {  	_ =	shalt  }
0x6e: {  	_ =	shalt  }
0x6f: {  	_ =	shalt  }
0x70: {  	_ =	shalt  }
0x71: {  	_ =	shalt  }
0x72: {  	_ =	shalt  }
0x73: {  	_ =	shalt  }
0x74: {  	_ =	shalt  }
0x75: {  	_ =	shalt  }
0x76: {  	_ =	shalt  }
0x77: {  	_ =	shalt  }
0x78: {  	_ =	shalt  }
0x79: {  	_ =	shalt  }
0x7a: {  	_ =	shalt  }
0x7b: {  	_ =	shalt  }
0x7c: {  	_ =	shalt  }
0x7d: {  	_ =	shalt  }
0x7e: {  	_ =	shalt  }
0x7f: {  	_ =	shalt  }
0x80: {  	_ =	shalt  }
0x81: {  	_ =	shalt  }
0x82: {  	_ =	shalt  }
0x83: {  	_ =	shalt  }
0x84: {  	_ =	shalt  }
0x85: {  	_ =	shalt  }
0x86: {  	_ =	shalt  }
0x87: {  	_ =	shalt  }
.Lfunc_end0:
.L_simem_size_0:
called_computation.1_lowered:
.L_overlay_start_0:
0x88: {  	s2 =	sld [smem:$0x3FD9]  }
0x89: {  	s3 =	sld [smem:$0x3FFE];
	_ =	sdelay $0x1  }
0x8a: {  	s1 =	srdreg.scid  }
0x8b: {  	s0 =	sand.u32 $0x1, s1  }
0x8c: {  	s15 =	sshll.u32 s0, $0xA;
	s2 =	sadd.s32 s3, s2  }
0x8d: {  	s2 =	sadd.s32 s2, s15  }
0x8e: {  	[smem:$0x3FB0] =	sst s2  }
0x8f: {  	_ = 	snop  }
0x90: {  	s2 =	sld [smem:$0x3FD0];
	_ =	sdelay $0x2  }
0x91: {  	s4 =	simm.s32 $0xB;
	s16 =	simm.s32 $0x10  }
0x92: {  	[smem:s16], [sflag:s4] =	dma.local [hbm:s2], $0x1  }
0x93: {  	_ =	swait.eq [sflag:s4], $0x1  }
0x94: {  	[sflag:s4] =	ssyncset.done $0x0  }
0x95: {  	s17 =	sld [smem:$0x10];
	[sflag:s4] =	ssyncadd.s32 $0xFFFFFFFF  }
0x96: {  	s18 =	sld [smem:$0x12];
	(tm) =	ssettm $0x1  }
0x97: {  	s19 =	sld [smem:$0x3FFB];
	_ =	sdelay $0x3  }
0x98: {  	_ =	strace s19  }
0x99: {  	s2 =	sld [smem:$0x3FFC];
	_ =	sdelay $0x3  }
0x9a: {  	_ =	strace s2  }
0x9b: {  	s2 =	sld [smem:$0x3FFD];
	_ =	sdelay $0x3  }
0x9c: {  	_ =	strace s2  }
0x9d: {  	_ =	strace $0x8FFFFFFF  }
0x9e: {  	s20 =	sld [smem:$0x3FDB];
	_ =	sdelay $0x1  }
0x9f: {  	s5 =	simm.s32 $_scs_section_size  }
0xa0: {  	s6 =	simm.s32 $_size__tile_overlayer_lowered;
	s7 =	simm.s32 $_tile_overlayer_lowered  }
0xa1: {  	s8 =	simm.s32 $0x1BFF;
	s21 =	sshll.u32 s7, $0x1;
	s5 =	sadd.s32 s5, s20  }
0xa2: {  	s22 =	simm.s32 $0x0;
	s6 =	sshll.u32 s6, $0x1;
	s7 =	sadd.s32 s21, s5  }
0xa3: {  	[timem:s22], [sflag:s8] =	dma.local [hbm:s7], s6  }
0xa4: {  	_ =	swait.ge [sflag:s8], s6  }
0xa5: {  	s6 =	ssub.s32 $0x0, s6;
	[sflag:s8] =	ssyncset.done $0x0  }
0xa6: {  	[sflag:s8] =	ssyncadd.s32 s6;
	_ =	sdelay $0x1  }
0xa7: {  	s23 =	simm.s32 $0x1B8B  }
0xa8: {  	_ =	swait.ge [sflag:s23], $0x1  }
0xa9: {  	[sflag:s23] =	ssyncset.done $0x0  }
0xaa: {  	[sflag:s23] =	ssyncadd.s32 $0xFFFFFFFF  }
0xab: {  	s6 =	sld [smem:$0x0]  }
0xac: {  	s7 =	sand.u32 $0xFFFFFFFE, s1  }
0xad: {  	p0 =	sne.s32 s1, s7  }
0xae: {  	s7 =	sshll.u32 @p0 s7, $0xE  }
0xaf: {  	s7 =	sadd.s32 @p0 $0x11B8D, s7;
	s8 =	sshll.u32 @p0 s6, $0x11  }
0xb0: {  	s7 =	sor.u32 @p0 s8, s7  }
0xb1: {  	[sflag:s7] =	ssyncadd.remote.s32 @p0 $0x1;
	_ =	sdelay $0x1  }
0xb2: {  	s7 =	simm.s32 @p0 $0x1B8D  }
0xb3: {  	_ =	swait.eq @p0 [sflag:s7], $0x1  }
0xb4: {  	[sflag:s7] =	ssyncadd.s32 @p0 $0xFFFFFFFF  }
0xb5: {  	s8 =	sshll.u32 @!p0 s1, $0xE  }
0xb6: {  	s8 =	sor.u32 @!p0 $0x4000, s8;
	s7 =	simm.s32 @!p0 $0x1B8D  }
0xb7: {  	s6 =	sshll.u32 @!p0 s6, $0x11;
	s8 =	sadd.s32 @!p0 $0x11B8D, s8;
	_ =	swait.eq @!p0 [sflag:s7], $0x1  }
0xb8: {  	s6 =	sor.u32 @!p0 s6, s8;
	[sflag:s7] =	ssyncadd.s32 @!p0 $0xFFFFFFFF  }
0xb9: {  	s25 =	simm.s32 $0x1B8E;
	s24 =	sld [smem:$0x3FFE];
	[sflag:s6] =	ssyncadd.remote.s32 @!p0 $0x1  }
0xba: {  	s26 =	simm.s32 $execute0_lowered;
	[smem:$0x3FD2] =	sst s25  }
0xbb: {  	s7 =	sshll.u32 s26, $0x1;
	_ =	strace $0x8000004C;
	[dreg:$0x1] =	wrdreg $0xFFFFFFFF  }
0xbc: {  	s28 =	simm.s32 $_size_execute0_lowered;
	s5 =	sadd.s32 s5, s7;
	[dreg:$0x0] =	wrdreg $0x0  }
0xbd: {  	s7 =	sshll.u32 s28, $0x1;
	[dreg:$0x2] =	wrdreg s5  }
0xbe: {  	[dreg:$0x3] =	wrdreg s7  }
0xbf: {  	[dreg:$0x4] =	wrdreg $0xC0  }
0xc0: {  	_ =	task [dreg:s22], $0x5FFFF  }
0xc1: {  	[dreg:$0x1] =	wrdreg $0xFFFFFFFF  }
0xc2: {  	[dreg:$0x0] =	wrdreg $0x60  }
0xc3: {  	[dreg:$0x2] =	wrdreg s18  }
0xc4: {  	[dreg:$0x3] =	wrdreg s24  }
0xc5: {  	[dreg:$0x4] =	wrdreg s17  }
0xc6: {  	[dreg:$0x5] =	wrdreg $0xB7800  }
0xc7: {  	[dreg:$0x6] =	wrdreg $0x9  }
0xc8: {  	_ =	task.clear_ibuf [dreg:s22], $0x7FFFF;
	_ =	strace $0x9000004C  }
0xc9: {  	s29 =	simm.s32 $0x9;
	_ =	strace $0x8000004E  }
0xca: {  	_ =	swait.ge [sflag:s29], $0x1  }
0xcb: {  	[sflag:s29] =	ssyncadd.s32 $0xFFFFFFFF  }
0xcc: {  	_ =	strace $0x9000004E  }
0xcd: {  	_ =	sfence  }
0xce: {  	s30 =	sld [smem:$0x0];
	_ =	sdelay $0x2  }
0xcf: {  	s31 =	sshll.u32 s1, $0xD;
	s1 =	sshrl.u32 s1, $0x2  }
0xd0: {  	s4 =	sand.u32 $0x4000, s31;
	s1 =	sadd.s32 s1, s30  }
0xd1: {  	s0 =	sor.u32 s4, s0;
	s1 =	sshll.u32 s1, $0x11  }
0xd2: {  	s0 =	sor.u32 s1, s0  }
0xd3: {  	s0 =	sadd.s32 $0x8F2B, s0  }
0xd4: {  	[sflag:s0] =	ssyncadd.remote.s32 $0x1  }
0xd5: {  	_ =	sfence.sel $0xFFFF  }
0xd6: {  	[dreg:$0x0] =	wrdreg $0xFFFFFFFF;
	(pc) =	sbr.abs _section_cstart, $3  }
0xd7: {  	[dreg:$0x1] =	wrdreg $0xFFFFFFFF  }
0xd8: {  	_ =	task.clear_ibuf [dreg:s22], $0x2FFFF;
	_ =	strace $0x9FFFFFFF  }
0xd9: {  	(tm) =	ssettm $0x7FFFFFFF  }
tec
execute0_lowered:
.L_overlay_start_1:
0x0: {  	(tag) =	ssettag $0x1  }
0x1: {  	s0 =	rddreg [dreg:$0x0]  }
0x2: {  	s5 =	rddreg [dreg:$0x1]  }
0x3: {  	s1 =	srdreg.scid;
	s8 =	rddreg [dreg:$0x2]  }
0x4: {  	s3 =	rddreg [dreg:$0x3];
	s4 =	simm.s32 $0x0;
	s14 =	simm.s32 $0x50  }
0x5: {  	s15 =	simm.s32 $0x6780;
	s16 =	simm.s32 $0x8F80;
	s17 =	simm.s32 $0x1  }
0x6: {  	s18 =	simm.s32 $0x2;
	s6 =	sand.u32 $0x1, s1;
	s1 =	stileid.u32  }
0x7: {  	s19 =	simm.s32 $0x6580;
	s20 =	simm.s32 $0x0;
	s10 =	smul.u32 $0x14000, s1  }
0x8: {  	[smem:$0x7FF] =	sst s4;
	s2 =	sshll.u32 s6, $0x4;
	s11 =	smul.u32 $0x140000, s6  }
0x9: {  	s13 =	smul.u32 $0x50000, s1;
	s6 =	ssub.s32 $0x2, s6;
	s30 =	sshll.u32 s1, $0x6  }
0xa: {  	s7 =	sor.u32 s1, s2;
	s2 =	rddreg [dreg:$0x4];
	_ =	strace $0x8000004D  }
0xb: {  	s29 =	sshrl.u32 s6, $0x1;
	s9 =	smul.u32 $0x4E2, s7;
	s12 =	sshrl.u32 s10, $0x3  }
0xc: {  	s10 =	sadd.s32 s10, s11;
	s13 =	sshrl.u32 s13, $0x2;
	s11 =	ssub.s32 s6, s29  }
0xd: {  	s31 =	sshll.u32 s7, $0xB;
	s6 =	sor.u32 $0x1C03, s30;
	s12 =	sadd.s32 s12, s5  }
0xe: {  	s10 =	sshrl.u32 s10, $0x3;
	s13 =	sadd.s32 s13, s3;
	s8 =	sadd.s32 s8, s31  }
0xf: {  	s9 =	sadd.s32 s9, s5;
	s10 =	sadd.s32 s10, s5;
	s5 =	sadd.s32 $0xE600, s12  }
0x10: {  	s12 =	simm.s32 $0x3;
	s7 =	sadd.s32 $0x4800, s9;
	s9 =	sadd.s32 $0x90400, s10  }
0x11: {  	s10 =	smax.u32 s11, $0x1;
	s11 =	sshrl.u32 s13, $0x3;
	s13 =	simm.s32 $0x2780  }
.LBB2_1:
0x12: {  	[spmem:s11], [sflag:s6] =	dma.local [hbm:s5], $0x2800  }
0x13: {  	_ =	swait.ge [sflag:s12], $0x2800  }
0x14: {  	[sflag:s12] =	ssyncset.done $0x0  }
0x15: {  	[sflag:s12] =	ssyncadd.s32 $0xFFFFD800  }
0x16: {  	[tilespmem:s4], [sflag:$0x3] =	stream.linear.gather [hbm4b:s7+s4], $0x2710, $0x38;
	[tilespmem:$0x1F780] =	vst v63  }
0x17: {  	_ =	swait.ge [sflag:s12], $0x2710  }
0x18: {  	[sflag:s12] =	ssyncset.done $0x0  }
0x19: {  	[sflag:s12] =	ssyncadd.s32 $0xFFFFD8F0  }
0x1a: {  	[tilespmem:s13], [sflag:$0x3] =	stream.linear.gather [hbm4b:s8+s4], $0x3E80, $0x38;
	[tilespmem:$0x1F780] =	vst v63  }
0x1b: {  	_ =	swait.ge [sflag:s12], $0x3E80  }
0x1c: {  	[sflag:s12] =	ssyncset.done $0x0  }
0x1d: {  	[sflag:s12] =	ssyncadd.s32 $0xFFFFC180  }
0x1e: {  	[bflag:$0x0] =	sbarrier.arrive $0xFFFF  }
0x1f: {  	[tilespmem:s15], [sflag:$0x1] =	stream.indirect.gather [hbm4b:s0+s14], $0x80, s4, s14, $0xb8;
	[tilespmem:$0x1F780] =	vst v63  }
0x20: {  	s21 =	simm.s32 $0x50  }
0x21: {  	[tilespmem:s16], [sflag:$0x2] =	stream.indirect.gather [hbm4b:s0+s14], $0x80, s21, s14, $0xb8;
	[tilespmem:$0x1F780] =	vst v63  }
0x22: {  	_ =	swait.ge [sflag:s17], $0x2800  }
0x23: {  	[sflag:s17] =	ssyncset.done $0x0  }
0x24: {  	s29 =	simm.s32 $0x2780;
	[sflag:s17] =	ssyncadd.s32 $0xFFFFD800  }
0x25: {  	[spmem:s3] =	stream.indirect.scatter.add.f32 [tilespmem:s15], [sflag:$0x3], $0x80, s29, s14, $0xb8;
	[tilespmem:$0x1F780] =	vst v63  }
0x26: {  	_ =	swait.ge [sflag:s12], $0x2800  }
0x27: {  	[sflag:s12] =	ssyncset.done $0x0  }
0x28: {  	s30 =	simm.s32 $0xA0;
	[sflag:s12] =	ssyncadd.s32 $0xFFFFD800  }
0x29: {  	[tilespmem:s15], [sflag:$0x1] =	stream.indirect.gather [hbm4b:s0+s14], $0x80, s30, s14, $0xb8;
	[tilespmem:$0x1F780] =	vst v63  }
0x2a: {  	_ =	swait.ge [sflag:s18], $0x2800  }
0x2b: {  	[sflag:s18] =	ssyncset.done $0x0  }
0x2c: {  	s31 =	simm.s32 $0x2800;
	[sflag:s18] =	ssyncadd.s32 $0xFFFFD800  }
0x2d: {  	[spmem:s3] =	stream.indirect.scatter.add.f32 [tilespmem:s16], [sflag:$0x3], $0x80, s31, s14, $0xb8;
	[tilespmem:$0x1F780] =	vst v63  }
0x2e: {  	s22 =	simm.s32 $0x400;
	_ =	swait.ge [sflag:s12], $0x2800  }
0x2f: {  	s23 =	simm.s32 $0x800;
	s21 =	simm.s32 $0x140;
	[sflag:s12] =	ssyncset.done $0x0  }
.LBB2_2:
0x30: {  	p0 =	sne.s32 s23, $0xF400;
	s24 =	sadd.s32 $0xFFFFFFB0, s21;
	[sflag:s12] =	ssyncadd.s32 $0xFFFFD800  }
0x31: {  	[tilespmem:s16], [sflag:$0x2] =	stream.indirect.gather [hbm4b:s0+s14], $0x80, s24, s14, $0xb8;
	[tilespmem:$0x1F780] =	vst v63  }
0x32: {  	s24 =	smov.u32 s23;
	s23 =	sadd.s32 $0x400, s23;
	_ =	swait.ge [sflag:s17], $0x2800  }
0x33: {  	s25 =	sshra.s32 s22, $0x2;
	s22 =	smov.u32 s24;
	[sflag:s17] =	ssyncset.done $0x0  }
0x34: {  	s24 =	sadd.s32 $0x2780, s25;
	[sflag:s17] =	ssyncadd.s32 $0xFFFFD800  }
0x35: {  	[spmem:s3] =	stream.indirect.scatter.add.f32 [tilespmem:s15], [sflag:$0x3], $0x80, s24, s14, $0xb8;
	[tilespmem:$0x1F780] =	vst v63  }
0x36: {  	_ =	swait.ge [sflag:s12], $0x2800  }
0x37: {  	[sflag:s12] =	ssyncset.done $0x0  }
0x38: {  	[sflag:s12] =	ssyncadd.s32 $0xFFFFD800  }
0x39: {  	[tilespmem:s15], [sflag:$0x1] =	stream.indirect.gather [hbm4b:s0+s14], $0x80, s21, s14, $0xb8;
	[tilespmem:$0x1F780] =	vst v63  }
0x3a: {  	_ =	swait.ge [sflag:s18], $0x2800  }
.Ltmp0:
0x3b: {  	[sflag:s18] =	ssyncset.done $0x0;
	(pc) =	sbr.rel @p0 .LBB2_2-.Ltmp0, $4  }
0x3c: {  	s24 =	sadd.s32 $0x2800, s25;
	[sflag:s18] =	ssyncadd.s32 $0xFFFFD800  }
0x3d: {  	[spmem:s3] =	stream.indirect.scatter.add.f32 [tilespmem:s16], [sflag:$0x3], $0x80, s24, s14, $0xb8;
	[tilespmem:$0x1F780] =	vst v63  }
0x3e: {  	_ =	swait.ge [sflag:s12], $0x2800  }
0x3f: {  	s21 =	sadd.s32 $0xA0, s21;
	[sflag:s12] =	ssyncset.done $0x0  }
0x40: {  	s23 =	sadd.s32 $0xFFFFFFB0, s21;
	[sflag:s12] =	ssyncadd.s32 $0xFFFFD800  }
0x41: {  	[tilespmem:s16], [sflag:$0x2] =	stream.indirect.gather [hbm4b:s0+s14], $0x80, s23, s14, $0xb8;
	[tilespmem:$0x1F780] =	vst v63  }
0x42: {  	_ =	swait.ge [sflag:s17], $0x2800  }
0x43: {  	s22 =	sshra.s32 s22, $0x2;
	[sflag:s17] =	ssyncset.done $0x0  }
0x44: {  	s30 =	sadd.s32 $0x2780, s22;
	[sflag:s17] =	ssyncadd.s32 $0xFFFFD800  }
0x45: {  	[spmem:s3] =	stream.indirect.scatter.add.f32 [tilespmem:s15], [sflag:$0x3], $0x80, s30, s14, $0xb8;
	[tilespmem:$0x1F780] =	vst v63  }
0x46: {  	_ =	swait.ge [sflag:s12], $0x2800  }
0x47: {  	[sflag:s12] =	ssyncset.done $0x0  }
0x48: {  	[sflag:s12] =	ssyncadd.s32 $0xFFFFD800  }
0x49: {  	[tilespmem:s15], [sflag:$0x1] =	stream.indirect.gather [hbm4b:s0+s14], $0x80, s21, s14, $0xb8;
	[tilespmem:$0x1F780] =	vst v63  }
0x4a: {  	_ =	swait.ge [sflag:s18], $0x2800  }
0x4b: {  	[sflag:s18] =	ssyncset.done $0x0  }
0x4c: {  	s31 =	sadd.s32 $0x2800, s22;
	[sflag:s18] =	ssyncadd.s32 $0xFFFFD800  }
0x4d: {  	[spmem:s3] =	stream.indirect.scatter.add.f32 [tilespmem:s16], [sflag:$0x3], $0x80, s31, s14, $0xb8;
	[tilespmem:$0x1F780] =	vst v63  }
0x4e: {  	_ =	swait.ge [sflag:s12], $0x2800  }
0x4f: {  	[sflag:s12] =	ssyncset.done $0x0  }
0x50: {  	[sflag:s12] =	ssyncadd.s32 $0xFFFFD800  }
0x51: {  	_ =	swait.ge [sflag:s17], $0x2800  }
0x52: {  	[sflag:s17] =	ssyncset.done $0x0  }
0x53: {  	[sflag:s17] =	ssyncadd.s32 $0xFFFFD800  }
0x54: {  	[spmem:s3] =	stream.indirect.scatter.add.f32 [tilespmem:s15], [sflag:$0x3], $0x80, s19, s14, $0xb8;
	[tilespmem:$0x1F780] =	vst v63  }
0x55: {  	_ =	swait.ge [sflag:s12], $0x2800  }
0x56: {  	s20 =	sadd.s32 $0x1, s20;
	[sflag:s12] =	ssyncset.done $0x0  }
0x57: {  	p0 =	sne.s32 s20, s10;
	[sflag:s12] =	ssyncadd.s32 $0xFFFFD800  }
.Ltmp1:
0x58: {  	[bflag:$0x0] =	sbarrier.arrive $0xFFFF;
	(pc) =	sbr.rel @p0 .LBB2_1-.Ltmp1, $4  }
0x59: {  	[hbm:s9], [sflag:s6] =	dma.local [spmem:s11], $0x2800  }
0x5a: {  	_ =	swait.ge [sflag:s12], $0x2800  }
0x5b: {  	[sflag:s12] =	ssyncset.done $0x0  }
0x5c: {  	[sflag:s12] =	ssyncadd.s32 $0xFFFFD800  }
0x5d: {  	_ =	sfence.sel $0x180000  }
0x5e: {  	[bflag:$0x0] =	sbarrier.arrive $0xFFFF  }
0x5f: {  	p0 =	sne.s32 s1, $0x0;
	_ =	strace $0x9000004D  }
0x60: {  	s0 =	sadd.s32 @!p0 $0x100000, s2;
	[bflag:$0x2] =	sbarrier.arrive $0xFFFF  }
0x61: {  	[sflag:s0] =	ssyncadd.tile.s32 @!p0 $0x1;
	_ =	shalt  }
.Lfunc_end2:
_tile_overlayer_lowered:
.L_overlay_start_2:
0x62: {  	(tag) =	ssettag $0x2  }
0x63: {  	s0 =	rddreg [dreg:$0x0];
	s2 =	stileid.u32  }
0x64: {  	s1 =	rddreg [dreg:$0x1];
	p0 =	sne.s32 s2, $0x0  }
0x65: {  	s3 =	rddreg [dreg:$0x2];
	[bflag:$0x3] =	sbarrier.arrive $0xFFFF;
	s2 =	simm.s32 @!p0 $0x1C03  }
0x66: {  	[timem:s3], [sflag:s2] =	dma.local @!p0 [hbm:s0], s1  }
0x67: {  	s0 =	simm.s32 @!p0 $0x3  }
0x68: {  	_ =	swait.ge @!p0 [sflag:s0], s1  }
0x69: {  	s1 =	ssub.s32 @!p0 $0x0, s1;
	[sflag:s0] =	ssyncset.done @!p0 $0x0  }
0x6a: {  	[sflag:s0] =	ssyncadd.s32 @!p0 s1  }
0x6b: {  	[bflag:$0x3] =	sbarrier.arrive $0xFFFF  }
0x6c: {  	_ =	shalt  }

// kernel: kernel.13.cloned.1.call-start
scs
__scs_entry_jumppad:
0x0: {  	(pc) =	sbr.rel $0x88, $3  }
0x1: {  	(tag) =	ssettag $0x0;
	lr =	simm.s32 $0x1  }
0x2: {  	[smem:$0x3F89] =	sst lr;
	_ =	strace $0xD0000000  }
0x3: {  	_ = 	snop  }
0x4: {  	_ = 	snop  }
0x5: {  	_ = 	snop  }
0x6: {  	_ = 	snop  }
0x7: {  	_ = 	snop  }
__scs_overlays_trampoline_lowered:
0x8: {  	[smem:$0x3F98] =	sst s0  }
0x9: {  	[smem:$0x3F99] =	sst s1  }
0xa: {  	[smem:$0x3F9A] =	sst s2  }
0xb: {  	[smem:$0x3F9B] =	sst s3  }
0xc: {  	[smem:$0x3F9C] =	sst s4  }
0xd: {  	[smem:$0x3F9D] =	sst s5  }
0xe: {  	[smem:$0x3F9E] =	sst s6  }
0xf: {  	[smem:$0x3F9F] =	sst s7  }
0x10: {  	[smem:$0x3FA0] =	sst s8  }
0x11: {  	[smem:$0x3FA1] =	sst s9;
	s0 =	simm.s32 @!p0 $0x0  }
0x12: {  	s1 =	sld [smem:$0x3F87];
	s0 =	simm.s32 @p0 $0x1  }
0x13: {  	[smem:$0x3FA2] =	sst s0;
	s0 =	simm.s32 @!p1 $0x0  }
0x14: {  	s2 =	sld [smem:$0x3F86];
	s0 =	simm.s32 @p1 $0x1  }
0x15: {  	[smem:$0x3FA3] =	sst s0;
	s0 =	simm.s32 @!p2 $0x0  }
0x16: {  	s3 =	sld [smem:$0x3FDB];
	s0 =	simm.s32 @p2 $0x1  }
0x17: {  	s4 =	simm.s32 $0x1BF5;
	[smem:$0x3FA5] =	sst s0  }
0x18: {  	s0 =	sld [smem:$0x3F88];
	_ =	swait.ge [sflag:s4], $0x0  }
0x19: {  	s7 =	sld [smem:$0x3F89]  }
0x1a: {  	s8 =	sadd.s32 $0xFFFFE003, lr  }
0x1b: {  	s9 =	sadd.s32 $0xFFFFFEF7, lr;
	s5 =	simm.s32 $0xFFFFFFFF;
	p2 =	slt.u32 s8, $0xFFFFF086  }
0x1c: {  	p1 =	slt.u32 s9, $0xF7A;
	s5 =	simm.s32 @!p2 $0x0  }
0x1d: {  	s5 =	simm.s32 @p1 $0x1;
	p0 =	seq.s32 s7, s2  }
0x1e: {  	s7 =	smul.u32 @!p0 $0xF7A, s2;
	p2 =	seq.s32 @!p0 s5, $0x0  }
0x1f: {  	s9 =	smul.u32 $0xF7A, s1;
	s8 =	simm.s32 @!p0 $0x1BF5;
	p2 =	por !p2, p0  }
0x20: {  	[sflag:s8] =	ssyncset.s32 @!p0 $0xFFFFF086;
	s6 =	sadd.s32 @!p0 s3, s7;
	s7 =	simm.s32 @!p0 $0x108  }
0x21: {  	s3 =	sadd.s32 s3, s9;
	s6 =	sadd.s32 @!p0 $0x88, s6;
	s7 =	simm.s32 @p2 $0x1082  }
0x22: {  	[simem:s7], [sflag:s8] =	dma.local @!p0 [hbm:s6], $0xF7A  }
0x23: {  	s9 =	sor.u32 $0xD0000000, s2;
	s6 =	simm.s32 $0x108;
	_ =	swait.ge @!p0 [sflag:s8], $0x0  }
0x24: {  	s3 =	sadd.s32 $0x88, s3;
	s6 =	simm.s32 @!p1 $0x1082;
	[sflag:s4] =	ssyncset.s32 $0xFFFFF086  }
0x25: {  	[simem:s6], [sflag:s4] =	dma.local [hbm:s3], $0xF7A  }
0x26: {  	[smem:$0x3F89] =	sst s1;
	(tag) =	ssettag s2;
	_ =	strace s9  }
0x27: {  	s1 =	sld [smem:$0x3F99]  }
0x28: {  	s2 =	sld [smem:$0x3F9A]  }
0x29: {  	s4 =	sld [smem:$0x3F9C]  }
0x2a: {  	p0 =	seq.s32 s5, $0x0;
	s5 =	sld [smem:$0x3F9D]  }
0x2b: {  	s6 =	sld [smem:$0x3F9E]  }
0x2c: {  	s7 =	sld [smem:$0x3F9F]  }
0x2d: {  	s3 =	simm.s32 $0x108;
	s8 =	sld [smem:$0x3FA0]  }
0x2e: {  	s3 =	simm.s32 @!p0 $0x1082;
	s9 =	sld [smem:$0x3FA1]  }
0x2f: {  	lr =	sadd.s32 s0, s3;
	s0 =	sld [smem:$0x3F98]  }
0x30: {  	s3 =	sld [smem:$0x3F9B]  }
0x31: {  	[smem:$0x3FA4] =	sst s10  }
0x32: {  	s10 =	sld [smem:$0x3FA2];
	_ =	sdelay $0x3  }
0x33: {  	p0 =	seq.s32 s10, $0x1;
	s10 =	sld [smem:$0x3FA4];
	_ =	sdelay $0x3  }
0x34: {  	[smem:$0x3FA4] =	sst s10  }
0x35: {  	s10 =	sld [smem:$0x3FA3];
	_ =	sdelay $0x3  }
0x36: {  	p1 =	seq.s32 s10, $0x1;
	s10 =	sld [smem:$0x3FA4];
	_ =	sdelay $0x3  }
0x37: {  	[smem:$0x3FA4] =	sst s10  }
0x38: {  	s10 =	sld [smem:$0x3FA5]  }
0x39: {  	_ = 	snop;
	(pc) =	sbr.ind lr, $3  }
0x3a: {  	_ = 	snop  }
0x3b: {  	_ = 	snop  }
0x3c: {  	p2 =	seq.s32 s10, $0x1;
	s10 =	sld [smem:$0x3FA4]  }
0x3d: {  	_ =	shalt  }
0x3e: {  	_ =	shalt  }
0x3f: {  	_ =	shalt  }
0x40: {  	_ =	shalt  }
0x41: {  	_ =	shalt  }
0x42: {  	_ =	shalt  }
0x43: {  	_ =	shalt  }
0x44: {  	_ =	shalt  }
0x45: {  	_ =	shalt  }
0x46: {  	_ =	shalt  }
0x47: {  	_ =	shalt  }
0x48: {  	_ =	shalt  }
0x49: {  	_ =	shalt  }
0x4a: {  	_ =	shalt  }
0x4b: {  	_ =	shalt  }
0x4c: {  	_ =	shalt  }
0x4d: {  	_ =	shalt  }
0x4e: {  	_ =	shalt  }
0x4f: {  	_ =	shalt  }
0x50: {  	_ =	shalt  }
0x51: {  	_ =	shalt  }
0x52: {  	_ =	shalt  }
0x53: {  	_ =	shalt  }
0x54: {  	_ =	shalt  }
0x55: {  	_ =	shalt  }
0x56: {  	_ =	shalt  }
0x57: {  	_ =	shalt  }
0x58: {  	_ =	shalt  }
0x59: {  	_ =	shalt  }
0x5a: {  	_ =	shalt  }
0x5b: {  	_ =	shalt  }
0x5c: {  	_ =	shalt  }
0x5d: {  	_ =	shalt  }
0x5e: {  	_ =	shalt  }
0x5f: {  	_ =	shalt  }
0x60: {  	_ =	shalt  }
0x61: {  	_ =	shalt  }
0x62: {  	_ =	shalt  }
0x63: {  	_ =	shalt  }
0x64: {  	_ =	shalt  }
0x65: {  	_ =	shalt  }
0x66: {  	_ =	shalt  }
0x67: {  	_ =	shalt  }
0x68: {  	_ =	shalt  }
0x69: {  	_ =	shalt  }
0x6a: {  	_ =	shalt  }
0x6b: {  	_ =	shalt  }
0x6c: {  	_ =	shalt  }
0x6d: {  	_ =	shalt  }
0x6e: {  	_ =	shalt  }
0x6f: {  	_ =	shalt  }
0x70: {  	_ =	shalt  }
0x71: {  	_ =	shalt  }
0x72: {  	_ =	shalt  }
0x73: {  	_ =	shalt  }
0x74: {  	_ =	shalt  }
0x75: {  	_ =	shalt  }
0x76: {  	_ =	shalt  }
0x77: {  	_ =	shalt  }
0x78: {  	_ =	shalt  }
0x79: {  	_ =	shalt  }
0x7a: {  	_ =	shalt  }
0x7b: {  	_ =	shalt  }
0x7c: {  	_ =	shalt  }
0x7d: {  	_ =	shalt  }
0x7e: {  	_ =	shalt  }
0x7f: {  	_ =	shalt  }
0x80: {  	_ =	shalt  }
0x81: {  	_ =	shalt  }
0x82: {  	_ =	shalt  }
0x83: {  	_ =	shalt  }
0x84: {  	_ =	shalt  }
0x85: {  	_ =	shalt  }
0x86: {  	_ =	shalt  }
0x87: {  	_ =	shalt  }
.Lfunc_end0:
.L_simem_size_0:
called_computation.2_lowered:
.L_overlay_start_0:
0x88: {  	s2 =	sld [smem:$0x3FD9]  }
0x89: {  	s3 =	sld [smem:$0x3FFE];
	_ =	sdelay $0x1  }
0x8a: {  	s1 =	srdreg.scid  }
0x8b: {  	s0 =	sand.u32 $0x1, s1  }
0x8c: {  	s14 =	sshll.u32 s0, $0xA;
	s2 =	sadd.s32 s3, s2  }
0x8d: {  	s2 =	sadd.s32 s2, s14  }
0x8e: {  	[smem:$0x3FB0] =	sst s2  }
0x8f: {  	_ = 	snop  }
0x90: {  	s2 =	sld [smem:$0x3FD0];
	_ =	sdelay $0x2  }
0x91: {  	s15 =	simm.s32 $0xB;
	s4 =	simm.s32 $0x10  }
0x92: {  	[smem:s4], [sflag:s15] =	dma.local [hbm:s2], $0x1  }
0x93: {  	_ =	swait.eq [sflag:s15], $0x1  }
0x94: {  	[sflag:s15] =	ssyncset.done $0x0  }
0x95: {  	s16 =	sld [smem:$0x10];
	[sflag:s15] =	ssyncadd.s32 $0xFFFFFFFF  }
0x96: {  	s17 =	sld [smem:$0x12];
	(tm) =	ssettm $0x1  }
0x97: {  	s18 =	sld [smem:$0x3FFB];
	_ =	sdelay $0x3  }
0x98: {  	_ =	strace s18  }
0x99: {  	s4 =	sld [smem:$0x3FFC];
	_ =	sdelay $0x3  }
0x9a: {  	_ =	strace s4  }
0x9b: {  	s4 =	sld [smem:$0x3FFD];
	_ =	sdelay $0x3  }
0x9c: {  	_ =	strace s4  }
0x9d: {  	_ =	strace $0x8FFFFFFF  }
0x9e: {  	s19 =	sld [smem:$0x3FDB];
	_ =	sdelay $0x1  }
0x9f: {  	s5 =	simm.s32 $_scs_section_size  }
0xa0: {  	s6 =	simm.s32 $_size__tile_overlayer_lowered;
	s7 =	simm.s32 $_tile_overlayer_lowered  }
0xa1: {  	s22 =	simm.s32 $0x1BFF;
	s21 =	sshll.u32 s7, $0x1;
	s4 =	sadd.s32 s5, s19  }
0xa2: {  	s8 =	simm.s32 $0x0;
	s20 =	sshll.u32 s6, $0x1;
	s6 =	sadd.s32 s21, s4  }
0xa3: {  	[timem:s8], [sflag:s22] =	dma.local [hbm:s6], s20  }
0xa4: {  	_ =	swait.ge [sflag:s22], s20  }
0xa5: {  	s5 =	ssub.s32 $0x0, s20;
	[sflag:s22] =	ssyncset.done $0x0  }
0xa6: {  	[sflag:s22] =	ssyncadd.s32 s5;
	_ =	sdelay $0x1  }
0xa7: {  	s23 =	simm.s32 $0x1B8B  }
0xa8: {  	_ =	swait.ge [sflag:s23], $0x1  }
0xa9: {  	[sflag:s23] =	ssyncset.done $0x0  }
0xaa: {  	s25 =	simm.s32 $0x1B8E;
	s24 =	sld [smem:$0x3FFE];
	[sflag:s23] =	ssyncadd.s32 $0xFFFFFFFF  }
0xab: {  	s26 =	simm.s32 $execute0_lowered;
	[smem:$0x3FD2] =	sst s25  }
0xac: {  	s6 =	sshll.u32 s26, $0x1;
	_ =	strace $0x80000049;
	[dreg:$0x1] =	wrdreg $0xFFFFFFFF  }
0xad: {  	s28 =	simm.s32 $_size_execute0_lowered;
	s4 =	sadd.s32 s4, s6;
	[dreg:$0x0] =	wrdreg $0x0  }
0xae: {  	s6 =	sshll.u32 s28, $0x1;
	[dreg:$0x2] =	wrdreg s4  }
0xaf: {  	[dreg:$0x3] =	wrdreg s6  }
0xb0: {  	[dreg:$0x4] =	wrdreg $0xC0  }
0xb1: {  	_ =	task [dreg:s8], $0x5FFFF  }
0xb2: {  	[dreg:$0x1] =	wrdreg $0xFFFFFFFF  }
0xb3: {  	[dreg:$0x0] =	wrdreg $0x60  }
0xb4: {  	[dreg:$0x2] =	wrdreg s17  }
0xb5: {  	[dreg:$0x3] =	wrdreg s24  }
0xb6: {  	[dreg:$0x4] =	wrdreg s16  }
0xb7: {  	[dreg:$0x5] =	wrdreg $0xB7800  }
0xb8: {  	[dreg:$0x6] =	wrdreg $0xA  }
0xb9: {  	_ =	task.clear_ibuf [dreg:s8], $0x7FFFF;
	_ =	strace $0x90000049  }
0xba: {  	s29 =	simm.s32 $0xA;
	_ =	strace $0x8000004B  }
0xbb: {  	_ =	swait.ge [sflag:s29], $0x1  }
0xbc: {  	[sflag:s29] =	ssyncadd.s32 $0xFFFFFFFF  }
0xbd: {  	_ =	strace $0x9000004B  }
0xbe: {  	_ =	sfence  }
0xbf: {  	s30 =	sld [smem:$0x0];
	_ =	sdelay $0x2  }
0xc0: {  	s31 =	sshll.u32 s1, $0xD;
	s1 =	sshrl.u32 s1, $0x2  }
0xc1: {  	s3 =	sand.u32 $0x4000, s31;
	s1 =	sadd.s32 s1, s30  }
0xc2: {  	s0 =	sor.u32 s3, s0;
	s1 =	sshll.u32 s1, $0x11  }
0xc3: {  	s0 =	sor.u32 s1, s0  }
0xc4: {  	s0 =	sadd.s32 $0x8F2B, s0  }
0xc5: {  	[sflag:s0] =	ssyncadd.remote.s32 $0x1  }
0xc6: {  	_ =	sfence.sel $0xFFFF  }
0xc7: {  	[dreg:$0x0] =	wrdreg $0xFFFFFFFF;
	(pc) =	sbr.abs _section_cstart, $3  }
0xc8: {  	[dreg:$0x1] =	wrdreg $0xFFFFFFFF  }
0xc9: {  	_ =	task.clear_ibuf [dreg:s8], $0x2FFFF;
	_ =	strace $0x9FFFFFFF  }
0xca: {  	(tm) =	ssettm $0x7FFFFFFF  }
0xcb: {  	_ =	shalt  }
tec
execute0_lowered:
.L_overlay_start_1:
0x0: {  	(tag) =	ssettag $0x1  }
0x1: {  	s0 =	rddreg [dreg:$0x0]  }
0x2: {  	s5 =	rddreg [dreg:$0x1]  }
0x3: {  	s1 =	srdreg.scid;
	s8 =	rddreg [dreg:$0x2]  }
0x4: {  	s3 =	rddreg [dreg:$0x3];
	s4 =	simm.s32 $0x0;
	s14 =	simm.s32 $0x50  }
0x5: {  	s15 =	simm.s32 $0x6780;
	s16 =	simm.s32 $0x8F80;
	s17 =	simm.s32 $0x1  }
0x6: {  	s18 =	simm.s32 $0x2;
	s6 =	sand.u32 $0x1, s1;
	s1 =	stileid.u32  }
0x7: {  	s19 =	simm.s32 $0x6580;
	s20 =	simm.s32 $0x0;
	s10 =	smul.u32 $0x14000, s1  }
0x8: {  	[smem:$0x7FF] =	sst s4;
	s2 =	sshll.u32 s6, $0x4;
	s11 =	smul.u32 $0x140000, s6  }
0x9: {  	s13 =	smul.u32 $0x50000, s1;
	s6 =	ssub.s32 $0x2, s6;
	s30 =	sshll.u32 s1, $0x6  }
0xa: {  	s7 =	sor.u32 s1, s2;
	s2 =	rddreg [dreg:$0x4];
	_ =	strace $0x8000004A  }
0xb: {  	s29 =	sshrl.u32 s6, $0x1;
	s9 =	smul.u32 $0x4E2, s7;
	s12 =	sshrl.u32 s10, $0x3  }
0xc: {  	s10 =	sadd.s32 s10, s11;
	s13 =	sshrl.u32 s13, $0x2;
	s11 =	ssub.s32 s6, s29  }
0xd: {  	s31 =	sshll.u32 s7, $0xB;
	s6 =	sor.u32 $0x1C03, s30;
	s12 =	sadd.s32 s12, s5  }
0xe: {  	s10 =	sshrl.u32 s10, $0x3;
	s13 =	sadd.s32 s13, s3;
	s8 =	sadd.s32 s8, s31  }
0xf: {  	s9 =	sadd.s32 s9, s5;
	s10 =	sadd.s32 s10, s5;
	s5 =	sadd.s32 $0xE600, s12  }
0x10: {  	s12 =	simm.s32 $0x3;
	s7 =	sadd.s32 $0x86600, s9;
	s9 =	sadd.s32 $0x36600, s10  }
0x11: {  	s10 =	smax.u32 s11, $0x1;
	s11 =	sshrl.u32 s13, $0x3;
	s13 =	simm.s32 $0x2780  }
.LBB2_1:
0x12: {  	[spmem:s11], [sflag:s6] =	dma.local [hbm:s5], $0x2800  }
0x13: {  	_ =	swait.ge [sflag:s12], $0x2800  }
0x14: {  	[sflag:s12] =	ssyncset.done $0x0  }
0x15: {  	[sflag:s12] =	ssyncadd.s32 $0xFFFFD800  }
0x16: {  	[tilespmem:s4], [sflag:$0x3] =	stream.linear.gather [hbm4b:s7+s4], $0x2710, $0x38;
	[tilespmem:$0x1F780] =	vst v63  }
0x17: {  	_ =	swait.ge [sflag:s12], $0x2710  }
0x18: {  	[sflag:s12] =	ssyncset.done $0x0  }
0x19: {  	[sflag:s12] =	ssyncadd.s32 $0xFFFFD8F0  }
0x1a: {  	[tilespmem:s13], [sflag:$0x3] =	stream.linear.gather [hbm4b:s8+s4], $0x3E80, $0x38;
	[tilespmem:$0x1F780] =	vst v63  }
0x1b: {  	_ =	swait.ge [sflag:s12], $0x3E80  }
0x1c: {  	[sflag:s12] =	ssyncset.done $0x0  }
0x1d: {  	[sflag:s12] =	ssyncadd.s32 $0xFFFFC180  }
0x1e: {  	[bflag:$0x0] =	sbarrier.arrive $0xFFFF  }
0x1f: {  	[tilespmem:s15], [sflag:$0x1] =	stream.indirect.gather [hbm4b:s0+s14], $0x80, s4, s14, $0xb8;
	[tilespmem:$0x1F780] =	vst v63  }
0x20: {  	s21 =	simm.s32 $0x50  }
0x21: {  	[tilespmem:s16], [sflag:$0x2] =	stream.indirect.gather [hbm4b:s0+s14], $0x80, s21, s14, $0xb8;
	[tilespmem:$0x1F780] =	vst v63  }
0x22: {  	_ =	swait.ge [sflag:s17], $0x2800  }
0x23: {  	[sflag:s17] =	ssyncset.done $0x0  }
0x24: {  	s29 =	simm.s32 $0x2780;
	[sflag:s17] =	ssyncadd.s32 $0xFFFFD800  }
0x25: {  	[spmem:s3] =	stream.indirect.scatter.add.f32 [tilespmem:s15], [sflag:$0x3], $0x80, s29, s14, $0xb8;
	[tilespmem:$0x1F780] =	vst v63  }
0x26: {  	_ =	swait.ge [sflag:s12], $0x2800  }
0x27: {  	[sflag:s12] =	ssyncset.done $0x0  }
0x28: {  	s30 =	simm.s32 $0xA0;
	[sflag:s12] =	ssyncadd.s32 $0xFFFFD800  }
0x29: {  	[tilespmem:s15], [sflag:$0x1] =	stream.indirect.gather [hbm4b:s0+s14], $0x80, s30, s14, $0xb8;
	[tilespmem:$0x1F780] =	vst v63  }
0x2a: {  	_ =	swait.ge [sflag:s18], $0x2800  }
0x2b: {  	[sflag:s18] =	ssyncset.done $0x0  }
0x2c: {  	s31 =	simm.s32 $0x2800;
	[sflag:s18] =	ssyncadd.s32 $0xFFFFD800  }
0x2d: {  	[spmem:s3] =	stream.indirect.scatter.add.f32 [tilespmem:s16], [sflag:$0x3], $0x80, s31, s14, $0xb8;
	[tilespmem:$0x1F780] =	vst v63  }
0x2e: {  	s22 =	simm.s32 $0x400;
	_ =	swait.ge [sflag:s12], $0x2800  }
0x2f: {  	s23 =	simm.s32 $0x800;
	s21 =	simm.s32 $0x140;
	[sflag:s12] =	ssyncset.done $0x0  }
.LBB2_2:
0x30: {  	p0 =	sne.s32 s23, $0xF400;
	s24 =	sadd.s32 $0xFFFFFFB0, s21;
	[sflag:s12] =	ssyncadd.s32 $0xFFFFD800  }
0x31: {  	[tilespmem:s16], [sflag:$0x2] =	stream.indirect.gather [hbm4b:s0+s14], $0x80, s24, s14, $0xb8;
	[tilespmem:$0x1F780] =	vst v63  }
0x32: {  	s24 =	smov.u32 s23;
	s23 =	sadd.s32 $0x400, s23;
	_ =	swait.ge [sflag:s17], $0x2800  }
0x33: {  	s25 =	sshra.s32 s22, $0x2;
	s22 =	smov.u32 s24;
	[sflag:s17] =	ssyncset.done $0x0  }
0x34: {  	s24 =	sadd.s32 $0x2780, s25;
	[sflag:s17] =	ssyncadd.s32 $0xFFFFD800  }
0x35: {  	[spmem:s3] =	stream.indirect.scatter.add.f32 [tilespmem:s15], [sflag:$0x3], $0x80, s24, s14, $0xb8;
	[tilespmem:$0x1F780] =	vst v63  }
0x36: {  	_ =	swait.ge [sflag:s12], $0x2800  }
0x37: {  	[sflag:s12] =	ssyncset.done $0x0  }
0x38: {  	[sflag:s12] =	ssyncadd.s32 $0xFFFFD800  }
0x39: {  	[tilespmem:s15], [sflag:$0x1] =	stream.indirect.gather [hbm4b:s0+s14], $0x80, s21, s14, $0xb8;
	[tilespmem:$0x1F780] =	vst v63  }
0x3a: {  	_ =	swait.ge [sflag:s18], $0x2800  }
.Ltmp0:
0x3b: {  	[sflag:s18] =	ssyncset.done $0x0;
	(pc) =	sbr.rel @p0 .LBB2_2-.Ltmp0, $4  }
0x3c: {  	s24 =	sadd.s32 $0x2800, s25;
	[sflag:s18] =	ssyncadd.s32 $0xFFFFD800  }
0x3d: {  	[spmem:s3] =	stream.indirect.scatter.add.f32 [tilespmem:s16], [sflag:$0x3], $0x80, s24, s14, $0xb8;
	[tilespmem:$0x1F780] =	vst v63  }
0x3e: {  	_ =	swait.ge [sflag:s12], $0x2800  }
0x3f: {  	s21 =	sadd.s32 $0xA0, s21;
	[sflag:s12] =	ssyncset.done $0x0  }
0x40: {  	s23 =	sadd.s32 $0xFFFFFFB0, s21;
	[sflag:s12] =	ssyncadd.s32 $0xFFFFD800  }
0x41: {  	[tilespmem:s16], [sflag:$0x2] =	stream.indirect.gather [hbm4b:s0+s14], $0x80, s23, s14, $0xb8;
	[tilespmem:$0x1F780] =	vst v63  }
0x42: {  	_ =	swait.ge [sflag:s17], $0x2800  }
0x43: {  	s22 =	sshra.s32 s22, $0x2;
	[sflag:s17] =	ssyncset.done $0x0  }
0x44: {  	s30 =	sadd.s32 $0x2780, s22;
	[sflag:s17] =	ssyncadd.s32 $0xFFFFD800  }
0x45: {  	[spmem:s3] =	stream.indirect.scatter.add.f32 [tilespmem:s15], [sflag:$0x3], $0x80, s30, s14, $0xb8;
	[tilespmem:$0x1F780] =	vst v63  }
0x46: {  	_ =	swait.ge [sflag:s12], $0x2800  }
0x47: {  	[sflag:s12] =	ssyncset.done $0x0  }
0x48: {  	[sflag:s12] =	ssyncadd.s32 $0xFFFFD800  }
0x49: {  	[tilespmem:s15], [sflag:$0x1] =	stream.indirect.gather [hbm4b:s0+s14], $0x80, s21, s14, $0xb8;
	[tilespmem:$0x1F780] =	vst v63  }
0x4a: {  	_ =	swait.ge [sflag:s18], $0x2800  }
0x4b: {  	[sflag:s18] =	ssyncset.done $0x0  }
0x4c: {  	s31 =	sadd.s32 $0x2800, s22;
	[sflag:s18] =	ssyncadd.s32 $0xFFFFD800  }
0x4d: {  	[spmem:s3] =	stream.indirect.scatter.add.f32 [tilespmem:s16], [sflag:$0x3], $0x80, s31, s14, $0xb8;
	[tilespmem:$0x1F780] =	vst v63  }
0x4e: {  	_ =	swait.ge [sflag:s12], $0x2800  }
0x4f: {  	[sflag:s12] =	ssyncset.done $0x0  }
0x50: {  	[sflag:s12] =	ssyncadd.s32 $0xFFFFD800  }
0x51: {  	_ =	swait.ge [sflag:s17], $0x2800  }
0x52: {  	[sflag:s17] =	ssyncset.done $0x0  }
0x53: {  	[sflag:s17] =	ssyncadd.s32 $0xFFFFD800  }
0x54: {  	[spmem:s3] =	stream.indirect.scatter.add.f32 [tilespmem:s15], [sflag:$0x3], $0x80, s19, s14, $0xb8;
	[tilespmem:$0x1F780] =	vst v63  }
0x55: {  	_ =	swait.ge [sflag:s12], $0x2800  }
0x56: {  	s20 =	sadd.s32 $0x1, s20;
	[sflag:s12] =	ssyncset.done $0x0  }
0x57: {  	p0 =	sne.s32 s20, s10;
	[sflag:s12] =	ssyncadd.s32 $0xFFFFD800  }
.Ltmp1:
0x58: {  	[bflag:$0x0] =	sbarrier.arrive $0xFFFF;
	(pc) =	sbr.rel @p0 .LBB2_1-.Ltmp1, $4  }
0x59: {  	[hbm:s9], [sflag:s6] =	dma.local [spmem:s11], $0x2800  }
0x5a: {  	_ =	swait.ge [sflag:s12], $0x2800  }
0x5b: {  	[sflag:s12] =	ssyncset.done $0x0  }
0x5c: {  	[sflag:s12] =	ssyncadd.s32 $0xFFFFD800  }
0x5d: {  	_ =	sfence.sel $0x180000  }
0x5e: {  	[bflag:$0x0] =	sbarrier.arrive $0xFFFF  }
0x5f: {  	p0 =	sne.s32 s1, $0x0;
	_ =	strace $0x9000004A  }
0x60: {  	s0 =	sadd.s32 @!p0 $0x100000, s2;
	[bflag:$0x2] =	sbarrier.arrive $0xFFFF  }
0x61: {  	[sflag:s0] =	ssyncadd.tile.s32 @!p0 $0x1;
	_ =	shalt  }
.Lfunc_end2:
_tile_overlayer_lowered:
.L_overlay_start_2:
0x62: {  	(tag) =	ssettag $0x2  }
0x63: {  	s0 =	rddreg [dreg:$0x0];
	s2 =	stileid.u32  }
0x64: {  	s1 =	rddreg [dreg:$0x1];
	p0 =	sne.s32 s2, $0x0  }
0x65: {  	s3 =	rddreg [dreg:$0x2];
	[bflag:$0x3] =	sbarrier.arrive $0xFFFF;
	s2 =	simm.s32 @!p0 $0x1C03  }
0x66: {  	[timem:s3], [sflag:s2] =	dma.local @!p0 [hbm:s0], s1  }
0x67: {  	s0 =	simm.s32 @!p0 $0x3  }
0x68: {  	_ =	swait.ge @!p0 [sflag:s0], s1  }
0x69: {  	s1 =	ssub.s32 @!p0 $0x0, s1;
	[sflag:s0] =	ssyncset.done @!p0 $0x0  }
0x6a: {  	[sflag:s0] =	ssyncadd.s32 @!p0 s1  }
0x6b: {  	[bflag:$0x3] =	sbarrier.arrive $0xFFFF  }
0x6c: {  	_ =	shalt  }

// kernel: kernel.7.cloned.1.call-start
scs
__scs_entry_jumppad:
0x0: {  	(pc) =	sbr.rel $0x88, $3  }
0x1: {  	(tag) =	ssettag $0x0;
	lr =	simm.s32 $0x1  }
0x2: {  	[smem:$0x3F89] =	sst lr;
	_ =	strace $0xD0000000  }
0x3: {  	_ = 	snop  }
0x4: {  	_ = 	snop  }
0x5: {  	_ = 	snop  }
0x6: {  	_ = 	snop  }
0x7: {  	_ = 	snop  }
__scs_overlays_trampoline_lowered:
0x8: {  	[smem:$0x3F98] =	sst s0  }
0x9: {  	[smem:$0x3F99] =	sst s1  }
0xa: {  	[smem:$0x3F9A] =	sst s2  }
0xb: {  	[smem:$0x3F9B] =	sst s3  }
0xc: {  	[smem:$0x3F9C] =	sst s4  }
0xd: {  	[smem:$0x3F9D] =	sst s5  }
0xe: {  	[smem:$0x3F9E] =	sst s6  }
0xf: {  	[smem:$0x3F9F] =	sst s7  }
0x10: {  	[smem:$0x3FA0] =	sst s8  }
0x11: {  	[smem:$0x3FA1] =	sst s9;
	s0 =	simm.s32 @!p0 $0x0  }
0x12: {  	s1 =	sld [smem:$0x3F87];
	s0 =	simm.s32 @p0 $0x1  }
0x13: {  	[smem:$0x3FA2] =	sst s0;
	s0 =	simm.s32 @!p1 $0x0  }
0x14: {  	s2 =	sld [smem:$0x3F86];
	s0 =	simm.s32 @p1 $0x1  }
0x15: {  	[smem:$0x3FA3] =	sst s0;
	s0 =	simm.s32 @!p2 $0x0  }
0x16: {  	s3 =	sld [smem:$0x3FDB];
	s0 =	simm.s32 @p2 $0x1  }
0x17: {  	s4 =	simm.s32 $0x1BF5;
	[smem:$0x3FA5] =	sst s0  }
0x18: {  	s0 =	sld [smem:$0x3F88];
	_ =	swait.ge [sflag:s4], $0x0  }
0x19: {  	s7 =	sld [smem:$0x3F89]  }
0x1a: {  	s8 =	sadd.s32 $0xFFFFE003, lr  }
0x1b: {  	s9 =	sadd.s32 $0xFFFFFEF7, lr;
	s5 =	simm.s32 $0xFFFFFFFF;
	p2 =	slt.u32 s8, $0xFFFFF086  }
0x1c: {  	p1 =	slt.u32 s9, $0xF7A;
	s5 =	simm.s32 @!p2 $0x0  }
0x1d: {  	s5 =	simm.s32 @p1 $0x1;
	p0 =	seq.s32 s7, s2  }
0x1e: {  	s7 =	smul.u32 @!p0 $0xF7A, s2;
	p2 =	seq.s32 @!p0 s5, $0x0  }
0x1f: {  	s9 =	smul.u32 $0xF7A, s1;
	s8 =	simm.s32 @!p0 $0x1BF5;
	p2 =	por !p2, p0  }
0x20: {  	[sflag:s8] =	ssyncset.s32 @!p0 $0xFFFFF086;
	s6 =	sadd.s32 @!p0 s3, s7;
	s7 =	simm.s32 @!p0 $0x108  }
0x21: {  	s3 =	sadd.s32 s3, s9;
	s6 =	sadd.s32 @!p0 $0x88, s6;
	s7 =	simm.s32 @p2 $0x1082  }
0x22: {  	[simem:s7], [sflag:s8] =	dma.local @!p0 [hbm:s6], $0xF7A  }
0x23: {  	s9 =	sor.u32 $0xD0000000, s2;
	s6 =	simm.s32 $0x108;
	_ =	swait.ge @!p0 [sflag:s8], $0x0  }
0x24: {  	s3 =	sadd.s32 $0x88, s3;
	s6 =	simm.s32 @!p1 $0x1082;
	[sflag:s4] =	ssyncset.s32 $0xFFFFF086  }
0x25: {  	[simem:s6], [sflag:s4] =	dma.local [hbm:s3], $0xF7A  }
0x26: {  	[smem:$0x3F89] =	sst s1;
	(tag) =	ssettag s2;
	_ =	strace s9  }
0x27: {  	s1 =	sld [smem:$0x3F99]  }
0x28: {  	s2 =	sld [smem:$0x3F9A]  }
0x29: {  	s4 =	sld [smem:$0x3F9C]  }
0x2a: {  	p0 =	seq.s32 s5, $0x0;
	s5 =	sld [smem:$0x3F9D]  }
0x2b: {  	s6 =	sld [smem:$0x3F9E]  }
0x2c: {  	s7 =	sld [smem:$0x3F9F]  }
0x2d: {  	s3 =	simm.s32 $0x108;
	s8 =	sld [smem:$0x3FA0]  }
0x2e: {  	s3 =	simm.s32 @!p0 $0x1082;
	s9 =	sld [smem:$0x3FA1]  }
0x2f: {  	lr =	sadd.s32 s0, s3;
	s0 =	sld [smem:$0x3F98]  }
0x30: {  	s3 =	sld [smem:$0x3F9B]  }
0x31: {  	[smem:$0x3FA4] =	sst s10  }
0x32: {  	s10 =	sld [smem:$0x3FA2];
	_ =	sdelay $0x3  }
0x33: {  	p0 =	seq.s32 s10, $0x1;
	s10 =	sld [smem:$0x3FA4];
	_ =	sdelay $0x3  }
0x34: {  	[smem:$0x3FA4] =	sst s10  }
0x35: {  	s10 =	sld [smem:$0x3FA3];
	_ =	sdelay $0x3  }
0x36: {  	p1 =	seq.s32 s10, $0x1;
	s10 =	sld [smem:$0x3FA4];
	_ =	sdelay $0x3  }
0x37: {  	[smem:$0x3FA4] =	sst s10  }
0x38: {  	s10 =	sld [smem:$0x3FA5]  }
0x39: {  	_ = 	snop;
	(pc) =	sbr.ind lr, $3  }
0x3a: {  	_ = 	snop  }
0x3b: {  	_ = 	snop  }
0x3c: {  	p2 =	seq.s32 s10, $0x1;
	s10 =	sld [smem:$0x3FA4]  }
0x3d: {  	_ =	shalt  }
0x3e: {  	_ =	shalt  }
0x3f: {  	_ =	shalt  }
0x40: {  	_ =	shalt  }
0x41: {  	_ =	shalt  }
0x42: {  	_ =	shalt  }
0x43: {  	_ =	shalt  }
0x44: {  	_ =	shalt  }
0x45: {  	_ =	shalt  }
0x46: {  	_ =	shalt  }
0x47: {  	_ =	shalt  }
0x48: {  	_ =	shalt  }
0x49: {  	_ =	shalt  }
0x4a: {  	_ =	shalt  }
0x4b: {  	_ =	shalt  }
0x4c: {  	_ =	shalt  }
0x4d: {  	_ =	shalt  }
0x4e: {  	_ =	shalt  }
0x4f: {  	_ =	shalt  }
0x50: {  	_ =	shalt  }
0x51: {  	_ =	shalt  }
0x52: {  	_ =	shalt  }
0x53: {  	_ =	shalt  }
0x54: {  	_ =	shalt  }
0x55: {  	_ =	shalt  }
0x56: {  	_ =	shalt  }
0x57: {  	_ =	shalt  }
0x58: {  	_ =	shalt  }
0x59: {  	_ =	shalt  }
0x5a: {  	_ =	shalt  }
0x5b: {  	_ =	shalt  }
0x5c: {  	_ =	shalt  }
0x5d: {  	_ =	shalt  }
0x5e: {  	_ =	shalt  }
0x5f: {  	_ =	shalt  }
0x60: {  	_ =	shalt  }
0x61: {  	_ =	shalt  }
0x62: {  	_ =	shalt  }
0x63: {  	_ =	shalt  }
0x64: {  	_ =	shalt  }
0x65: {  	_ =	shalt  }
0x66: {  	_ =	shalt  }
0x67: {  	_ =	shalt  }
0x68: {  	_ =	shalt  }
0x69: {  	_ =	shalt  }
0x6a: {  	_ =	shalt  }
0x6b: {  	_ =	shalt  }
0x6c: {  	_ =	shalt  }
0x6d: {  	_ =	shalt  }
0x6e: {  	_ =	shalt  }
0x6f: {  	_ =	shalt  }
0x70: {  	_ =	shalt  }
0x71: {  	_ =	shalt  }
0x72: {  	_ =	shalt  }
0x73: {  	_ =	shalt  }
0x74: {  	_ =	shalt  }
0x75: {  	_ =	shalt  }
0x76: {  	_ =	shalt  }
0x77: {  	_ =	shalt  }
0x78: {  	_ =	shalt  }
0x79: {  	_ =	shalt  }
0x7a: {  	_ =	shalt  }
0x7b: {  	_ =	shalt  }
0x7c: {  	_ =	shalt  }
0x7d: {  	_ =	shalt  }
0x7e: {  	_ =	shalt  }
0x7f: {  	_ =	shalt  }
0x80: {  	_ =	shalt  }
0x81: {  	_ =	shalt  }
0x82: {  	_ =	shalt  }
0x83: {  	_ =	shalt  }
0x84: {  	_ =	shalt  }
0x85: {  	_ =	shalt  }
0x86: {  	_ =	shalt  }
0x87: {  	_ =	shalt  }
.Lfunc_end0:
.L_simem_size_0:
called_computation_lowered:
.L_overlay_start_0:
0x88: {  	s2 =	sld [smem:$0x3FD9]  }
0x89: {  	s3 =	sld [smem:$0x3FFE];
	_ =	sdelay $0x1  }
0x8a: {  	s1 =	srdreg.scid  }
0x8b: {  	s0 =	sand.u32 $0x1, s1  }
0x8c: {  	s14 =	sshll.u32 s0, $0xA;
	s2 =	sadd.s32 s3, s2  }
0x8d: {  	s2 =	sadd.s32 s2, s14  }
0x8e: {  	[smem:$0x3FB0] =	sst s2  }
0x8f: {  	_ = 	snop  }
0x90: {  	s2 =	sld [smem:$0x3FD0];
	_ =	sdelay $0x2  }
0x91: {  	s4 =	simm.s32 $0xB;
	s5 =	simm.s32 $0x10;
	s15 =	sld [smem:$0x3FC9]  }
0x92: {  	[smem:s5], [sflag:s4] =	dma.local [hbm:s2], $0x1  }
0x93: {  	_ =	swait.eq [sflag:s4], $0x1  }
0x94: {  	[sflag:s4] =	ssyncset.done $0x0  }
0x95: {  	[sflag:s4] =	ssyncadd.s32 $0xFFFFFFFF  }
0x96: {  	s16 =	sld [smem:$0x10];
	(tm) =	ssettm $0x1  }
0x97: {  	s17 =	sld [smem:$0x3FFB];
	_ =	sdelay $0x3  }
0x98: {  	_ =	strace s17  }
0x99: {  	s4 =	sld [smem:$0x3FFC];
	_ =	sdelay $0x3  }
0x9a: {  	_ =	strace s4  }
0x9b: {  	s4 =	sld [smem:$0x3FFD];
	_ =	sdelay $0x3  }
0x9c: {  	_ =	strace s4  }
0x9d: {  	_ =	strace $0x8FFFFFFF  }
0x9e: {  	s18 =	sld [smem:$0x3FDB];
	_ =	sdelay $0x1  }
0x9f: {  	s19 =	simm.s32 $_scs_section_size  }
0xa0: {  	s6 =	simm.s32 $_size__tile_overlayer_lowered;
	s7 =	simm.s32 $_tile_overlayer_lowered  }
0xa1: {  	s22 =	simm.s32 $0x1BFF;
	s21 =	sshll.u32 s7, $0x1;
	s4 =	sadd.s32 s19, s18  }
0xa2: {  	s8 =	simm.s32 $0x0;
	s20 =	sshll.u32 s6, $0x1;
	s6 =	sadd.s32 s21, s4  }
0xa3: {  	[timem:s8], [sflag:s22] =	dma.local [hbm:s6], s20  }
0xa4: {  	_ =	swait.ge [sflag:s22], s20  }
0xa5: {  	s5 =	ssub.s32 $0x0, s20;
	[sflag:s22] =	ssyncset.done $0x0  }
0xa6: {  	[sflag:s22] =	ssyncadd.s32 s5;
	_ =	sdelay $0x1  }
0xa7: {  	s23 =	simm.s32 $0x1B8B  }
0xa8: {  	_ =	swait.ge [sflag:s23], $0x1  }
0xa9: {  	[sflag:s23] =	ssyncset.done $0x0  }
0xaa: {  	s25 =	simm.s32 $0x1B8E;
	s24 =	sld [smem:$0x3FFE];
	[sflag:s23] =	ssyncadd.s32 $0xFFFFFFFF  }
0xab: {  	s26 =	simm.s32 $execute0_lowered;
	[smem:$0x3FD2] =	sst s25  }
0xac: {  	s6 =	sshll.u32 s26, $0x1;
	_ =	strace $0x80000046;
	[dreg:$0x1] =	wrdreg $0xFFFFFFFF  }
0xad: {  	s28 =	simm.s32 $_size_execute0_lowered;
	s4 =	sadd.s32 s4, s6;
	[dreg:$0x0] =	wrdreg $0x0  }
0xae: {  	s6 =	sshll.u32 s28, $0x1;
	[dreg:$0x2] =	wrdreg s4  }
0xaf: {  	[dreg:$0x3] =	wrdreg s6  }
0xb0: {  	[dreg:$0x4] =	wrdreg $0xC0  }
0xb1: {  	_ =	task [dreg:s8], $0x5FFFF  }
0xb2: {  	[dreg:$0x1] =	wrdreg $0xFFFFFFFF  }
0xb3: {  	[dreg:$0x0] =	wrdreg $0x60  }
0xb4: {  	[dreg:$0x2] =	wrdreg s15  }
0xb5: {  	[dreg:$0x3] =	wrdreg s24  }
0xb6: {  	[dreg:$0x4] =	wrdreg s16  }
0xb7: {  	[dreg:$0x5] =	wrdreg $0xB7800  }
0xb8: {  	[dreg:$0x6] =	wrdreg $0x9  }
0xb9: {  	_ =	task.clear_ibuf [dreg:s8], $0x7FFFF;
	_ =	strace $0x90000046  }
0xba: {  	s29 =	simm.s32 $0x9;
	_ =	strace $0x80000048  }
0xbb: {  	_ =	swait.ge [sflag:s29], $0x1  }
0xbc: {  	[sflag:s29] =	ssyncadd.s32 $0xFFFFFFFF  }
0xbd: {  	_ =	strace $0x90000048  }
0xbe: {  	_ =	sfence  }
0xbf: {  	s30 =	sld [smem:$0x0];
	_ =	sdelay $0x2  }
0xc0: {  	s31 =	sshll.u32 s1, $0xD;
	s1 =	sshrl.u32 s1, $0x2  }
0xc1: {  	s3 =	sand.u32 $0x4000, s31;
	s1 =	sadd.s32 s1, s30  }
0xc2: {  	s0 =	sor.u32 s3, s0;
	s1 =	sshll.u32 s1, $0x11  }
0xc3: {  	s0 =	sor.u32 s1, s0  }
0xc4: {  	s0 =	sadd.s32 $0x8F2B, s0  }
0xc5: {  	[sflag:s0] =	ssyncadd.remote.s32 $0x1  }
0xc6: {  	_ =	sfence.sel $0xFFFF  }
0xc7: {  	[dreg:$0x0] =	wrdreg $0xFFFFFFFF;
	(pc) =	sbr.abs _section_cstart, $3  }
0xc8: {  	[dreg:$0x1] =	wrdreg $0xFFFFFFFF  }
0xc9: {  	_ =	task.clear_ibuf [dreg:s8], $0x2FFFF;
	_ =	strace $0x9FFFFFFF  }
0xca: {  	(tm) =	ssettm $0x7FFFFFFF  }
0xcb: {  	_ =	shalt  }
tec
execute0_lowered:
.L_overlay_start_1:
0x0: {  	(tag) =	ssettag $0x1  }
0x1: {  	s0 =	rddreg [dreg:$0x0]  }
0x2: {  	s5 =	rddreg [dreg:$0x1]  }
0x3: {  	s1 =	srdreg.scid;
	s8 =	rddreg [dreg:$0x2]  }
0x4: {  	s3 =	rddreg [dreg:$0x3];
	s4 =	simm.s32 $0x0;
	s14 =	simm.s32 $0x50  }
0x5: {  	s15 =	simm.s32 $0x6780;
	s16 =	simm.s32 $0x8F80;
	s17 =	simm.s32 $0x1  }
0x6: {  	s18 =	simm.s32 $0x2;
	s6 =	sand.u32 $0x1, s1;
	s1 =	stileid.u32  }
0x7: {  	s19 =	simm.s32 $0x6580;
	s20 =	simm.s32 $0x0;
	s10 =	smul.u32 $0x14000, s1  }
0x8: {  	[smem:$0x7FF] =	sst s4;
	s2 =	sshll.u32 s6, $0x4;
	s11 =	smul.u32 $0x140000, s6  }
0x9: {  	s13 =	smul.u32 $0x50000, s1;
	s6 =	ssub.s32 $0x2, s6;
	s30 =	sshll.u32 s1, $0x6  }
0xa: {  	s7 =	sor.u32 s1, s2;
	s2 =	rddreg [dreg:$0x4];
	_ =	strace $0x80000047  }
0xb: {  	s29 =	sshrl.u32 s6, $0x1;
	s9 =	smul.u32 $0x4E2, s7;
	s12 =	sshrl.u32 s10, $0x3  }
0xc: {  	s10 =	sadd.s32 s10, s11;
	s13 =	sshrl.u32 s13, $0x2;
	s11 =	ssub.s32 s6, s29  }
0xd: {  	s31 =	sshll.u32 s7, $0xB;
	s6 =	sor.u32 $0x1C03, s30;
	s12 =	sadd.s32 s12, s5  }
0xe: {  	s10 =	sshrl.u32 s10, $0x3;
	s13 =	sadd.s32 s13, s3;
	s8 =	sadd.s32 s8, s31  }
0xf: {  	s9 =	sadd.s32 s9, s5;
	s10 =	sadd.s32 s10, s5;
	s5 =	sadd.s32 $0xE600, s12  }
0x10: {  	s12 =	simm.s32 $0x3;
	s7 =	sadd.s32 $0x4800, s9;
	s9 =	sadd.s32 $0x36600, s10  }
0x11: {  	s10 =	smax.u32 s11, $0x1;
	s11 =	sshrl.u32 s13, $0x3;
	s13 =	simm.s32 $0x2780  }
.LBB2_1:
0x12: {  	[spmem:s11], [sflag:s6] =	dma.local [hbm:s5], $0x2800  }
0x13: {  	_ =	swait.ge [sflag:s12], $0x2800  }
0x14: {  	[sflag:s12] =	ssyncset.done $0x0  }
0x15: {  	[sflag:s12] =	ssyncadd.s32 $0xFFFFD800  }
0x16: {  	[tilespmem:s4], [sflag:$0x3] =	stream.linear.gather [hbm4b:s7+s4], $0x2710, $0x38;
	[tilespmem:$0x1F780] =	vst v63  }
0x17: {  	_ =	swait.ge [sflag:s12], $0x2710  }
0x18: {  	[sflag:s12] =	ssyncset.done $0x0  }
0x19: {  	[sflag:s12] =	ssyncadd.s32 $0xFFFFD8F0  }
0x1a: {  	[tilespmem:s13], [sflag:$0x3] =	stream.linear.gather [hbm4b:s8+s4], $0x3E80, $0x38;
	[tilespmem:$0x1F780] =	vst v63  }
0x1b: {  	_ =	swait.ge [sflag:s12], $0x3E80  }
0x1c: {  	[sflag:s12] =	ssyncset.done $0x0  }
0x1d: {  	[sflag:s12] =	ssyncadd.s32 $0xFFFFC180  }
0x1e: {  	[bflag:$0x0] =	sbarrier.arrive $0xFFFF  }
0x1f: {  	[tilespmem:s15], [sflag:$0x1] =	stream.indirect.gather [hbm4b:s0+s14], $0x80, s4, s14, $0xb8;
	[tilespmem:$0x1F780] =	vst v63  }
0x20: {  	s21 =	simm.s32 $0x50  }
0x21: {  	[tilespmem:s16], [sflag:$0x2] =	stream.indirect.gather [hbm4b:s0+s14], $0x80, s21, s14, $0xb8;
	[tilespmem:$0x1F780] =	vst v63  }
0x22: {  	_ =	swait.ge [sflag:s17], $0x2800  }
0x23: {  	[sflag:s17] =	ssyncset.done $0x0  }
0x24: {  	s29 =	simm.s32 $0x2780;
	[sflag:s17] =	ssyncadd.s32 $0xFFFFD800  }
0x25: {  	[spmem:s3] =	stream.indirect.scatter.add.f32 [tilespmem:s15], [sflag:$0x3], $0x80, s29, s14, $0xb8;
	[tilespmem:$0x1F780] =	vst v63  }
0x26: {  	_ =	swait.ge [sflag:s12], $0x2800  }
0x27: {  	[sflag:s12] =	ssyncset.done $0x0  }
0x28: {  	s30 =	simm.s32 $0xA0;
	[sflag:s12] =	ssyncadd.s32 $0xFFFFD800  }
0x29: {  	[tilespmem:s15], [sflag:$0x1] =	stream.indirect.gather [hbm4b:s0+s14], $0x80, s30, s14, $0xb8;
	[tilespmem:$0x1F780] =	vst v63  }
0x2a: {  	_ =	swait.ge [sflag:s18], $0x2800  }
0x2b: {  	[sflag:s18] =	ssyncset.done $0x0  }
0x2c: {  	s31 =	simm.s32 $0x2800;
	[sflag:s18] =	ssyncadd.s32 $0xFFFFD800  }
0x2d: {  	[spmem:s3] =	stream.indirect.scatter.add.f32 [tilespmem:s16], [sflag:$0x3], $0x80, s31, s14, $0xb8;
	[tilespmem:$0x1F780] =	vst v63  }
0x2e: {  	s22 =	simm.s32 $0x400;
	_ =	swait.ge [sflag:s12], $0x2800  }
0x2f: {  	s23 =	simm.s32 $0x800;
	s21 =	simm.s32 $0x140;
	[sflag:s12] =	ssyncset.done $0x0  }
.LBB2_2:
0x30: {  	p0 =	sne.s32 s23, $0xF400;
	s24 =	sadd.s32 $0xFFFFFFB0, s21;
	[sflag:s12] =	ssyncadd.s32 $0xFFFFD800  }
0x31: {  	[tilespmem:s16], [sflag:$0x2] =	stream.indirect.gather [hbm4b:s0+s14], $0x80, s24, s14, $0xb8;
	[tilespmem:$0x1F780] =	vst v63  }
0x32: {  	s24 =	smov.u32 s23;
	s23 =	sadd.s32 $0x400, s23;
	_ =	swait.ge [sflag:s17], $0x2800  }
0x33: {  	s25 =	sshra.s32 s22, $0x2;
	s22 =	smov.u32 s24;
	[sflag:s17] =	ssyncset.done $0x0  }
0x34: {  	s24 =	sadd.s32 $0x2780, s25;
	[sflag:s17] =	ssyncadd.s32 $0xFFFFD800  }
0x35: {  	[spmem:s3] =	stream.indirect.scatter.add.f32 [tilespmem:s15], [sflag:$0x3], $0x80, s24, s14, $0xb8;
	[tilespmem:$0x1F780] =	vst v63  }
0x36: {  	_ =	swait.ge [sflag:s12], $0x2800  }
0x37: {  	[sflag:s12] =	ssyncset.done $0x0  }
0x38: {  	[sflag:s12] =	ssyncadd.s32 $0xFFFFD800  }
0x39: {  	[tilespmem:s15], [sflag:$0x1] =	stream.indirect.gather [hbm4b:s0+s14], $0x80, s21, s14, $0xb8;
	[tilespmem:$0x1F780] =	vst v63  }
0x3a: {  	_ =	swait.ge [sflag:s18], $0x2800  }
.Ltmp0:
0x3b: {  	[sflag:s18] =	ssyncset.done $0x0;
	(pc) =	sbr.rel @p0 .LBB2_2-.Ltmp0, $4  }
0x3c: {  	s24 =	sadd.s32 $0x2800, s25;
	[sflag:s18] =	ssyncadd.s32 $0xFFFFD800  }
0x3d: {  	[spmem:s3] =	stream.indirect.scatter.add.f32 [tilespmem:s16], [sflag:$0x3], $0x80, s24, s14, $0xb8;
	[tilespmem:$0x1F780] =	vst v63  }
0x3e: {  	_ =	swait.ge [sflag:s12], $0x2800  }
0x3f: {  	s21 =	sadd.s32 $0xA0, s21;
	[sflag:s12] =	ssyncset.done $0x0  }
0x40: {  	s23 =	sadd.s32 $0xFFFFFFB0, s21;
	[sflag:s12] =	ssyncadd.s32 $0xFFFFD800  }
0x41: {  	[tilespmem:s16], [sflag:$0x2] =	stream.indirect.gather [hbm4b:s0+s14], $0x80, s23, s14, $0xb8;
	[tilespmem:$0x1F780] =	vst v63  }
0x42: {  	_ =	swait.ge [sflag:s17], $0x2800  }
0x43: {  	s22 =	sshra.s32 s22, $0x2;
	[sflag:s17] =	ssyncset.done $0x0  }
0x44: {  	s30 =	sadd.s32 $0x2780, s22;
	[sflag:s17] =	ssyncadd.s32 $0xFFFFD800  }
0x45: {  	[spmem:s3] =	stream.indirect.scatter.add.f32 [tilespmem:s15], [sflag:$0x3], $0x80, s30, s14, $0xb8;
	[tilespmem:$0x1F780] =	vst v63  }
0x46: {  	_ =	swait.ge [sflag:s12], $0x2800  }
0x47: {  	[sflag:s12] =	ssyncset.done $0x0  }
0x48: {  	[sflag:s12] =	ssyncadd.s32 $0xFFFFD800  }
0x49: {  	[tilespmem:s15], [sflag:$0x1] =	stream.indirect.gather [hbm4b:s0+s14], $0x80, s21, s14, $0xb8;
	[tilespmem:$0x1F780] =	vst v63  }
0x4a: {  	_ =	swait.ge [sflag:s18], $0x2800  }
0x4b: {  	[sflag:s18] =	ssyncset.done $0x0  }
0x4c: {  	s31 =	sadd.s32 $0x2800, s22;
	[sflag:s18] =	ssyncadd.s32 $0xFFFFD800  }
0x4d: {  	[spmem:s3] =	stream.indirect.scatter.add.f32 [tilespmem:s16], [sflag:$0x3], $0x80, s31, s14, $0xb8;
	[tilespmem:$0x1F780] =	vst v63  }
0x4e: {  	_ =	swait.ge [sflag:s12], $0x2800  }
0x4f: {  	[sflag:s12] =	ssyncset.done $0x0  }
0x50: {  	[sflag:s12] =	ssyncadd.s32 $0xFFFFD800  }
0x51: {  	_ =	swait.ge [sflag:s17], $0x2800  }
0x52: {  	[sflag:s17] =	ssyncset.done $0x0  }
0x53: {  	[sflag:s17] =	ssyncadd.s32 $0xFFFFD800  }
0x54: {  	[spmem:s3] =	stream.indirect.scatter.add.f32 [tilespmem:s15], [sflag:$0x3], $0x80, s19, s14, $0xb8;
	[tilespmem:$0x1F780] =	vst v63  }
0x55: {  	_ =	swait.ge [sflag:s12], $0x2800  }
0x56: {  	s20 =	sadd.s32 $0x1, s20;
	[sflag:s12] =	ssyncset.done $0x0  }
0x57: {  	p0 =	sne.s32 s20, s10;
	[sflag:s12] =	ssyncadd.s32 $0xFFFFD800  }
.Ltmp1:
0x58: {  	[bflag:$0x0] =	sbarrier.arrive $0xFFFF;
	(pc) =	sbr.rel @p0 .LBB2_1-.Ltmp1, $4  }
0x59: {  	[hbm:s9], [sflag:s6] =	dma.local [spmem:s11], $0x2800  }
0x5a: {  	_ =	swait.ge [sflag:s12], $0x2800  }
0x5b: {  	[sflag:s12] =	ssyncset.done $0x0  }
0x5c: {  	[sflag:s12] =	ssyncadd.s32 $0xFFFFD800  }
0x5d: {  	_ =	sfence.sel $0x180000  }
0x5e: {  	[bflag:$0x0] =	sbarrier.arrive $0xFFFF  }
0x5f: {  	p0 =	sne.s32 s1, $0x0;
	_ =	strace $0x90000047  }
0x60: {  	s0 =	sadd.s32 @!p0 $0x100000, s2;
	[bflag:$0x2] =	sbarrier.arrive $0xFFFF  }
0x61: {  	[sflag:s0] =	ssyncadd.tile.s32 @!p0 $0x1;
	_ =	shalt  }
.Lfunc_end2:
_tile_overlayer_lowered:
.L_overlay_start_2:
0x62: {  	(tag) =	ssettag $0x2  }
0x63: {  	s0 =	rddreg [dreg:$0x0];
	s2 =	stileid.u32  }
0x64: {  	s1 =	rddreg [dreg:$0x1];
	p0 =	sne.s32 s2, $0x0  }
0x65: {  	s3 =	rddreg [dreg:$0x2];
	[bflag:$0x3] =	sbarrier.arrive $0xFFFF;
	s2 =	simm.s32 @!p0 $0x1C03  }
0x66: {  	[timem:s3], [sflag:s2] =	dma.local @!p0 [hbm:s0], s1  }
0x67: {  	s0 =	simm.s32 @!p0 $0x3  }
0x68: {  	_ =	swait.ge @!p0 [sflag:s0], s1  }
0x69: {  	s1 =	ssub.s32 @!p0 $0x0, s1;
	[sflag:s0] =	ssyncset.done @!p0 $0x0  }
0x6a: {  	[sflag:s0] =	ssyncadd.s32 @!p0 s1  }
0x6b: {  	[bflag:$0x3] =	sbarrier.arrive $0xFFFF  }
0x6c: {  	_ =	shalt  }

</sc_bundles>
